<compile_context>
chip_gen: v7x
topology: tpu7x:2x2x1
jax: 0.10.2.dev20260603
libtpu: 0.0.44.dev20260713+nightly
codegen_flags: <defaults>
</compile_context>

<pallas_src>
import functools

import jax
import jax.numpy as jnp
from jax import lax
from jax.experimental import pallas as pl
from jax.experimental.pallas import tpu as pltpu
from jax.experimental.pallas import tpu_sc as plsc

_NC = 2
_NS = 16
_NW = _NC * _NS
_CH = 256


@functools.lru_cache(maxsize=None)
def _make_seg_sum(n_pad: int, n_cols: int, edges_per_tile: int):
    rows_per_tile = n_pad // _NS
    n_chunks = edges_per_tile // _CH

    mesh = plsc.VectorSubcoreMesh(core_axis_name="c", subcore_axis_name="s")

    @functools.partial(
        pl.kernel,
        out_type=jax.ShapeDtypeStruct((2, n_pad, n_cols), jnp.float32),
        mesh=mesh,
        compiler_params=pltpu.CompilerParams(use_tc_tiling_on_sc=False),
        scratch_types=[
            pltpu.VMEM((2 * edges_per_tile,), jnp.int32),
            pltpu.VMEM((_CH, n_cols), jnp.float32),
            pltpu.VMEM_SHARED((n_pad, n_cols), jnp.float32),
            pltpu.VMEM_SHARED((n_pad, n_cols), jnp.float32),
            pltpu.SemaphoreType.DMA,
        ],
    )
    def seg(table_hbm, idx_hbm, zeros_hbm, out_hbm,
            idx, rows, acc_sp, table_sp, sem):
        c = lax.axis_index("c")
        s = lax.axis_index("s")
        wid = s * _NC + c

        t0 = s * rows_per_tile
        pltpu.sync_copy(zeros_hbm.at[pl.ds(t0, rows_per_tile)],
                        acc_sp.at[pl.ds(t0, rows_per_tile)])
        pltpu.sync_copy(table_hbm.at[pl.ds(t0, rows_per_tile)],
                        table_sp.at[pl.ds(t0, rows_per_tile)])
        plsc.subcore_barrier()

        base2 = wid * 2 * edges_per_tile
        pltpu.sync_copy(idx_hbm.at[pl.ds(pl.multiple_of(base2, 2 * _CH),
                                         2 * edges_per_tile)], idx)

        def chunk(j, carry):
            off = pl.multiple_of(j * 2 * _CH, 2 * _CH)
            pltpu.async_copy(table_sp.at[idx.at[pl.ds(off, _CH)]],
                             rows, sem).wait()
            pltpu.sync_copy(rows, acc_sp.at[idx.at[pl.ds(off + _CH, _CH)]],
                            add=True)
            return carry

        lax.fori_loop(0, n_chunks, chunk, 0)
        plsc.subcore_barrier()

        pltpu.sync_copy(acc_sp.at[pl.ds(t0, rows_per_tile)],
                        out_hbm.at[c, pl.ds(t0, rows_per_tile)])

    return seg


def _prep_edges(edge_index, junk_row):
    e = edge_index.shape[1]
    edges_per_tile = -(-e // (_NW * _CH)) * _CH
    e_pad = _NW * edges_per_tile
    src = jnp.concatenate(
        [edge_index[0], jnp.zeros((e_pad - e,), jnp.int32)])
    dst = jnp.concatenate(
        [edge_index[1], jnp.full((e_pad - e,), junk_row, jnp.int32)])
    inter = jnp.stack(
        [src.reshape(-1, _CH), dst.reshape(-1, _CH)], axis=1).reshape(-1)
    return inter, edges_per_tile


def _mm_body(x_ref, w_ref, o_ref):
    o_ref[...] = jnp.dot(x_ref[...], w_ref[...],
                         preferred_element_type=jnp.float32)


def _matmul(x, w, block_rows, n_out):
    n, d = x.shape
    k = w.shape[1]
    return pl.pallas_call(
        _mm_body,
        grid=(n // block_rows,),
        in_specs=[pl.BlockSpec((block_rows, d), lambda i: (i, 0)),
                  pl.BlockSpec((d, k), lambda i: (0, 0))],
        out_specs=pl.BlockSpec((block_rows, k), lambda i: (i, 0)),
        out_shape=jax.ShapeDtypeStruct((n_out, k), jnp.float32),
    )(x, w)


def _enc2_body(p_ref, w_ref, o_ref):
    h = jnp.maximum(p_ref[0] + p_ref[1], 0.0)
    o_ref[...] = jnp.dot(h, w_ref[...], preferred_element_type=jnp.float32)


def _enc2(parts, w23, block_rows, n_real):
    n_pad = parts.shape[1]
    k = w23.shape[1]
    return pl.pallas_call(
        _enc2_body,
        grid=(n_real // block_rows,),
        in_specs=[pl.BlockSpec((2, block_rows, 64), lambda i: (0, i, 0)),
                  pl.BlockSpec((64, k), lambda i: (0, 0))],
        out_specs=pl.BlockSpec((block_rows, k), lambda i: (i, 0)),
        out_shape=jax.ShapeDtypeStruct((n_pad, k), jnp.float32),
    )(parts, w23)


def _fin_body(ma_ref, mb_ref, n1_ref, n2_ref, wd_ref, bd_ref,
              z1_ref, z2_ref, z3_ref):
    ma = ma_ref[0] + ma_ref[1]
    mb = mb_ref[0] + mb_ref[1]
    zm1, zls1 = ma[:, :32], ma[:, 32:]
    zm2, zls2 = mb[:, :32], mb[:, 32:]
    z1_ref[...] = zm1 + n1_ref[...] * jnp.exp(zls1)
    z2_ref[...] = zm2 + n2_ref[...] * jnp.exp(zls2)
    z3_ref[...] = jnp.dot(zm1 + zm2, wd_ref[...],
                          preferred_element_type=jnp.float32) + bd_ref[...]


def _finalize(ma, mb, noise1, noise2, wd, bd, block_rows):
    n = noise1.shape[0]
    h2 = noise1.shape[1]
    sds = jax.ShapeDtypeStruct((n, h2), jnp.float32)
    return pl.pallas_call(
        _fin_body,
        grid=(n // block_rows,),
        in_specs=[pl.BlockSpec((2, block_rows, 64), lambda i: (0, i, 0)),
                  pl.BlockSpec((2, block_rows, 64), lambda i: (0, i, 0)),
                  pl.BlockSpec((block_rows, h2), lambda i: (i, 0)),
                  pl.BlockSpec((block_rows, h2), lambda i: (i, 0)),
                  pl.BlockSpec((h2, h2), lambda i: (0, 0)),
                  pl.BlockSpec((1, h2), lambda i: (0, 0))],
        out_specs=[pl.BlockSpec((block_rows, h2), lambda i: (i, 0)),
                   pl.BlockSpec((block_rows, h2), lambda i: (i, 0)),
                   pl.BlockSpec((block_rows, h2), lambda i: (i, 0))],
        out_shape=[sds, sds, sds],
    )(ma, mb, noise1, noise2, wd, bd.reshape(1, h2))


def _dec_body(l_ref, r_ref, o_ref):
    o_ref[...] = lax.dot_general(
        l_ref[...], r_ref[...], (((1,), (1,)), ((), ())),
        preferred_element_type=jnp.float32)


def _decode(z, block_rows):
    n, h2 = z.shape
    return pl.pallas_call(
        _dec_body,
        grid=(n // block_rows,),
        in_specs=[pl.BlockSpec((block_rows, h2), lambda i: (i, 0)),
                  pl.BlockSpec((n, h2), lambda i: (0, 0))],
        out_specs=pl.BlockSpec((block_rows, n), lambda i: (i, 0)),
        out_shape=jax.ShapeDtypeStruct((n, n), jnp.float32),
    )(z, z)


def kernel(features, graph1_edge_index, graph2_edge_index, noise1, noise2,
           W1_a, W2_a, W3_a, W1_b, W2_b, W3_b, Wd, bd):
    n, d = features.shape
    n_pad = -(-n // 128) * 128

    idx1, cpt1 = _prep_edges(graph1_edge_index, n)
    idx2, cpt2 = _prep_edges(graph2_edge_index, n)
    zeros_acc = jnp.zeros((n_pad, 64), jnp.float32)
    seg1 = _make_seg_sum(n_pad, 64, cpt1)
    seg2 = _make_seg_sum(n_pad, 64, cpt2)

    s_all = _matmul(features, jnp.concatenate([W1_a, W1_b], axis=1),
                    1000, n_pad)

    pa = seg1(s_all[:, :64], idx1, zeros_acc)
    s23a = _enc2(pa, jnp.concatenate([W2_a, W3_a], axis=1), 2000, n)
    ma = seg1(s23a, idx1, zeros_acc)

    pb = seg2(s_all[:, 64:], idx2, zeros_acc)
    s23b = _enc2(pb, jnp.concatenate([W2_b, W3_b], axis=1), 2000, n)
    mb = seg2(s23b, idx2, zeros_acc)

    z1, z2, z3 = _finalize(ma, mb, noise1, noise2, Wd, bd, 2000)

    rec1 = _decode(z1, 400).reshape(-1)
    rec2 = _decode(z2, 400).reshape(-1)
    return rec1, rec2, z3

# --- scband reference (transcript-rebuilt; emitter-appended) ---
"""Pipeline reference for scband-dual-gcngraph-fusion-23983097381352 (READ-ONLY COPY).

The authoritative reference and input builder live on the scoring server;
editing this copy changes nothing except your own understanding.
"""

import jax, jax.numpy as jnp
import numpy as np

N = 10000
D = 128
E = 320000
H1 = 64
H2 = 32


def gcn_layer(x, edge_index, W, N):
    # GraphConvolution: support = x @ W; out = A @ support via gather/scatter-add
    support = x @ W
    src = edge_index[0]
    dst = edge_index[1]
    msgs = jnp.take(support, src, axis=0)          # gather
    out = jax.ops.segment_sum(msgs, dst, num_segments=N)  # scatter-add
    return out


def setup_inputs(seed: int = 0) -> dict:
    key = jax.random.key(seed)
    ks = jax.random.split(key, 16)
    features = jax.random.normal(ks[0], (N, D), dtype=jnp.float32)
    graph1_edge_index = jax.random.randint(ks[1], (2, E), 0, N, dtype=jnp.int32)
    graph2_edge_index = jax.random.randint(ks[2], (2, E), 0, N, dtype=jnp.int32)
    noise1 = jax.random.normal(ks[3], (N, H2), dtype=jnp.float32)
    noise2 = jax.random.normal(ks[4], (N, H2), dtype=jnp.float32)
    # learned parameters (glorot-ish scaling)
    W1_a = jax.random.normal(ks[5], (D, H1), dtype=jnp.float32) * (1.0 / np.sqrt(D))
    W2_a = jax.random.normal(ks[6], (H1, H2), dtype=jnp.float32) * (1.0 / np.sqrt(H1))
    W3_a = jax.random.normal(ks[7], (H1, H2), dtype=jnp.float32) * (1.0 / np.sqrt(H1))
    W1_b = jax.random.normal(ks[8], (D, H1), dtype=jnp.float32) * (1.0 / np.sqrt(D))
    W2_b = jax.random.normal(ks[9], (H1, H2), dtype=jnp.float32) * (1.0 / np.sqrt(H1))
    W3_b = jax.random.normal(ks[10], (H1, H2), dtype=jnp.float32) * (1.0 / np.sqrt(H1))
    Wd = jax.random.normal(ks[11], (H2, H2), dtype=jnp.float32) * (1.0 / np.sqrt(H2))
    bd = jnp.zeros((H2,), dtype=jnp.float32)
    return {
        'features': features,
        'graph1_edge_index': graph1_edge_index,
        'graph2_edge_index': graph2_edge_index,
        'noise1': noise1,
        'noise2': noise2,
        'W1_a': W1_a, 'W2_a': W2_a, 'W3_a': W3_a,
        'W1_b': W1_b, 'W2_b': W2_b, 'W3_b': W3_b,
        'Wd': Wd, 'bd': bd,
    }


def reference(features, graph1_edge_index, graph2_edge_index, noise1, noise2,
              W1_a, W2_a, W3_a, W1_b, W2_b, W3_b, Wd, bd):
    n = features.shape[0]
    # branch 1 (graph1)
    h1 = jax.nn.relu(gcn_layer(features, graph1_edge_index, W1_a, n))
    z_mean_1 = gcn_layer(h1, graph1_edge_index, W2_a, n)
    z_log_std_1 = gcn_layer(h1, graph1_edge_index, W3_a, n)
    z_1 = z_mean_1 + noise1 * jnp.exp(z_log_std_1)
    reconstructions_1 = jnp.reshape(z_1 @ z_1.T, (-1,))  # InnerProductDecoder, act=identity
    # branch 2 (graph2)
    h2 = jax.nn.relu(gcn_layer(features, graph2_edge_index, W1_b, n))
    z_mean_2 = gcn_layer(h2, graph2_edge_index, W2_b, n)
    z_log_std_2 = gcn_layer(h2, graph2_edge_index, W3_b, n)
    z_2 = z_mean_2 + noise2 * jnp.exp(z_log_std_2)
    reconstructions_2 = jnp.reshape(z_2 @ z_2.T, (-1,))
    # fusion dense layer
    z_3 = (z_mean_1 + z_mean_2) @ Wd + bd
    return reconstructions_1, reconstructions_2, z_3

if __name__ == "__main__":
    import jax
    _d = setup_inputs()
    print(jax.jit(kernel)(*tuple(_d.values())))

</pallas_src>

<mosaic_0001>
#map = affine_map<(d0, d1) -> (0, 0)>
#map1 = affine_map<(d0, d1) -> (0)>
#map2 = affine_map<(d0, d1) -> (0, 0, 0)>
module attributes {stable_mosaic.version = 14 : i64} {
  func.func @seg(%arg0: i32, %arg1: i32, %arg2: memref<10112x64xf32, #tpu.memory_space<hbm>>, %arg3: memref<655360xi32, #tpu.memory_space<hbm>>, %arg4: memref<10112x64xf32, #tpu.memory_space<hbm>>, %arg5: memref<2x10112x64xf32, #tpu.memory_space<hbm>>, %arg6: memref<20480xi32, #tpu.memory_space<vmem>>, %arg7: memref<256x64xf32, #tpu.memory_space<vmem>>, %arg8: memref<10112x64xf32, #tpu.memory_space<vmem_shared>>, %arg9: memref<10112x64xf32, #tpu.memory_space<vmem_shared>>, %arg10: memref<!tpu.dma_semaphore, #tpu.memory_space<semaphore_mem>>) attributes {dimension_semantics = [#tpu.dimension_semantics<core_parallel>, #tpu.dimension_semantics<subcore_parallel>], iteration_bounds = array<i64: 2, 16>, scalar_prefetch = 0 : i64, scratch_operands = 5 : i64, tpu.core_type = #tpu.core_type<sc_vector_subcore>, window_params = [{transform_indices = #map}, {transform_indices = #map1}, {transform_indices = #map}, {transform_indices = #map2}]} {
    %mul3A = arith.constant 2 : i32
    %mul3A_0 = arith.muli %arg1, %mul3A : i32
    %add3A = arith.addi %mul3A_0, %arg0 : i32
    %mul3A_1 = arith.constant 632 : i32
    %mul3A_2 = arith.muli %arg1, %mul3A_1 : i32
    "tpu.region"() ({
      %run_scoped3A = tpu.sem_alloc : memref<!tpu.dma_semaphore, #tpu.memory_space<semaphore_mem>>
      %dma_start3A = arith.constant 0 : i32
      %dma_start3A_13 = tpu.memref_slice %arg8[%mul3A_2, %dma_start3A] : memref<10112x64xf32, #tpu.memory_space<vmem_shared>> -> memref<632x64xf32, #tpu.memory_space<vmem_shared>>
      %dma_start3A_14 = arith.constant 0 : i32
      %dma_start3A_15 = tpu.memref_slice %arg4[%mul3A_2, %dma_start3A_14] : memref<10112x64xf32, #tpu.memory_space<hbm>> -> memref<632x64xf32, #tpu.memory_space<hbm>>
      tpu.enqueue_dma source(%dma_start3A_15 : memref<632x64xf32, #tpu.memory_space<hbm>>) target(%dma_start3A_13 : memref<632x64xf32, #tpu.memory_space<vmem_shared>>) target_semaphore(%run_scoped3A : memref<!tpu.dma_semaphore, #tpu.memory_space<semaphore_mem>>)
      %dma_wait3A = arith.constant 0 : i32
      %dma_wait3A_16 = tpu.memref_slice %arg8[%mul3A_2, %dma_wait3A] : memref<10112x64xf32, #tpu.memory_space<vmem_shared>> -> memref<632x64xf32, #tpu.memory_space<vmem_shared>>
      %dma_wait3A_17 = arith.constant 0 : i32
      %dma_wait3A_18 = tpu.memref_slice %arg4[%mul3A_2, %dma_wait3A_17] : memref<10112x64xf32, #tpu.memory_space<hbm>> -> memref<632x64xf32, #tpu.memory_space<hbm>>
      tpu.wait_dma2 semaphore(%run_scoped3A : memref<!tpu.dma_semaphore, #tpu.memory_space<semaphore_mem>>) src(%dma_wait3A_18 : memref<632x64xf32, #tpu.memory_space<hbm>>) dst(%dma_wait3A_16 : memref<632x64xf32, #tpu.memory_space<vmem_shared>>)
      tpu.yield
    }) : () -> ()
    "tpu.region"() ({
      %run_scoped3A = tpu.sem_alloc : memref<!tpu.dma_semaphore, #tpu.memory_space<semaphore_mem>>
      %dma_start3A = arith.constant 0 : i32
      %dma_start3A_13 = tpu.memref_slice %arg9[%mul3A_2, %dma_start3A] : memref<10112x64xf32, #tpu.memory_space<vmem_shared>> -> memref<632x64xf32, #tpu.memory_space<vmem_shared>>
      %dma_start3A_14 = arith.constant 0 : i32
      %dma_start3A_15 = tpu.memref_slice %arg2[%mul3A_2, %dma_start3A_14] : memref<10112x64xf32, #tpu.memory_space<hbm>> -> memref<632x64xf32, #tpu.memory_space<hbm>>
      tpu.enqueue_dma source(%dma_start3A_15 : memref<632x64xf32, #tpu.memory_space<hbm>>) target(%dma_start3A_13 : memref<632x64xf32, #tpu.memory_space<vmem_shared>>) target_semaphore(%run_scoped3A : memref<!tpu.dma_semaphore, #tpu.memory_space<semaphore_mem>>)
      %dma_wait3A = arith.constant 0 : i32
      %dma_wait3A_16 = tpu.memref_slice %arg9[%mul3A_2, %dma_wait3A] : memref<10112x64xf32, #tpu.memory_space<vmem_shared>> -> memref<632x64xf32, #tpu.memory_space<vmem_shared>>
      %dma_wait3A_17 = arith.constant 0 : i32
      %dma_wait3A_18 = tpu.memref_slice %arg2[%mul3A_2, %dma_wait3A_17] : memref<10112x64xf32, #tpu.memory_space<hbm>> -> memref<632x64xf32, #tpu.memory_space<hbm>>
      tpu.wait_dma2 semaphore(%run_scoped3A : memref<!tpu.dma_semaphore, #tpu.memory_space<semaphore_mem>>) src(%dma_wait3A_18 : memref<632x64xf32, #tpu.memory_space<hbm>>) dst(%dma_wait3A_16 : memref<632x64xf32, #tpu.memory_space<vmem_shared>>)
      tpu.yield
    }) : () -> ()
    %barrier3A = arith.constant 0 : index
    tpu.barrier barrier_id(%barrier3A)
    %mul3A_3 = arith.constant 2 : i32
    %mul3A_4 = arith.muli %add3A, %mul3A_3 : i32
    %mul3A_5 = arith.constant 10240 : i32
    %mul3A_6 = arith.muli %mul3A_4, %mul3A_5 : i32
    %multiple_of3A = tpu.assume_multiple %mul3A_6, 512 : i32
    "tpu.region"() ({
      %run_scoped3A = tpu.sem_alloc : memref<!tpu.dma_semaphore, #tpu.memory_space<semaphore_mem>>
      %dma_start3A = tpu.memref_slice %arg3[%multiple_of3A] : memref<655360xi32, #tpu.memory_space<hbm>> -> memref<20480xi32, #tpu.memory_space<hbm>>
      %dma_start3A_13 = tpu.memref_slice %arg3[%multiple_of3A] : memref<655360xi32, #tpu.memory_space<hbm>> -> memref<20480xi32, #tpu.memory_space<hbm>>
      tpu.enqueue_dma source(%dma_start3A_13 : memref<20480xi32, #tpu.memory_space<hbm>>) target(%arg6 : memref<20480xi32, #tpu.memory_space<vmem>>) target_semaphore(%run_scoped3A : memref<!tpu.dma_semaphore, #tpu.memory_space<semaphore_mem>>)
      %dma_wait3A = tpu.memref_slice %arg3[%multiple_of3A] : memref<655360xi32, #tpu.memory_space<hbm>> -> memref<20480xi32, #tpu.memory_space<hbm>>
      %dma_wait3A_14 = tpu.memref_slice %arg3[%multiple_of3A] : memref<655360xi32, #tpu.memory_space<hbm>> -> memref<20480xi32, #tpu.memory_space<hbm>>
      tpu.wait_dma2 semaphore(%run_scoped3A : memref<!tpu.dma_semaphore, #tpu.memory_space<semaphore_mem>>) src(%dma_wait3A_14 : memref<20480xi32, #tpu.memory_space<hbm>>) dst(%arg6 : memref<20480xi32, #tpu.memory_space<vmem>>)
      tpu.yield
    }) : () -> ()
    %scan3A = arith.constant 0 : i32
    %scan3A_7 = arith.constant 0 : i32
    %scan3A_8 = arith.constant 40 : i32
    %scan3A_9 = arith.addi %scan3A_7, %scan3A_8 : i32
    %scan3A_10 = arith.constant 1 : i32
    scf.for %scan3A_13 = %scan3A_7 to %scan3A_9 step %scan3A_10  : i32 {
      %mul3A_14 = arith.constant 2 : i32
      %mul3A_15 = arith.muli %scan3A_13, %mul3A_14 : i32
      %mul3A_16 = arith.constant 256 : i32
      %mul3A_17 = arith.muli %mul3A_15, %mul3A_16 : i32
      %multiple_of3A_18 = tpu.assume_multiple %mul3A_17, 512 : i32
      %dma_start3A = tpu.memref_slice %arg6[%multiple_of3A_18] : memref<20480xi32, #tpu.memory_space<vmem>> -> memref<256xi32, #tpu.memory_space<vmem>>
      %dma_start3A_19 = arith.constant 0 : i32
      %dma_start3A_20 = arith.constant 0 : i32
      %dma_start3A_21 = tpu.memref_slice %arg9[%dma_start3A_19, %dma_start3A_20] : memref<10112x64xf32, #tpu.memory_space<vmem_shared>> -> memref<10112x64xf32, #tpu.memory_space<vmem_shared>>
      tpu.enqueue_indirect_dma source(%dma_start3A_21 : memref<10112x64xf32, #tpu.memory_space<vmem_shared>>) target(%arg7 : memref<256x64xf32, #tpu.memory_space<vmem>>) offsets(%dma_start3A : memref<256xi32, #tpu.memory_space<vmem>>) semaphore(%arg10 : memref<!tpu.dma_semaphore, #tpu.memory_space<semaphore_mem>>)
      %dma_wait3A = tpu.memref_slice %arg6[%multiple_of3A_18] : memref<20480xi32, #tpu.memory_space<vmem>> -> memref<256xi32, #tpu.memory_space<vmem>>
      %dma_wait3A_22 = arith.constant 0 : i32
      %dma_wait3A_23 = arith.constant 0 : i32
      %dma_wait3A_24 = tpu.memref_slice %arg9[%dma_wait3A_22, %dma_wait3A_23] : memref<10112x64xf32, #tpu.memory_space<vmem_shared>> -> memref<10112x64xf32, #tpu.memory_space<vmem_shared>>
      tpu.wait_indirect_dma semaphore(%arg10 : memref<!tpu.dma_semaphore, #tpu.memory_space<semaphore_mem>>) src(%dma_wait3A_24 : memref<10112x64xf32, #tpu.memory_space<vmem_shared>>) dst(%arg7 : memref<256x64xf32, #tpu.memory_space<vmem>>)
      %add3A_25 = arith.constant 256 : i32
      %add3A_26 = arith.addi %multiple_of3A_18, %add3A_25 : i32
      "tpu.region"() ({
        %run_scoped3A = tpu.sem_alloc : memref<!tpu.dma_semaphore, #tpu.memory_space<semaphore_mem>>
        %dma_start3A_27 = tpu.memref_slice %arg6[%add3A_26] : memref<20480xi32, #tpu.memory_space<vmem>> -> memref<256xi32, #tpu.memory_space<vmem>>
        %dma_start3A_28 = arith.constant 0 : i32
        %dma_start3A_29 = arith.constant 0 : i32
        %dma_start3A_30 = tpu.memref_slice %arg8[%dma_start3A_28, %dma_start3A_29] : memref<10112x64xf32, #tpu.memory_space<vmem_shared>> -> memref<10112x64xf32, #tpu.memory_space<vmem_shared>>
        tpu.enqueue_indirect_dma source(%arg7 : memref<256x64xf32, #tpu.memory_space<vmem>>) target(%dma_start3A_30 : memref<10112x64xf32, #tpu.memory_space<vmem_shared>>) offsets(%dma_start3A_27 : memref<256xi32, #tpu.memory_space<vmem>>) semaphore(%run_scoped3A : memref<!tpu.dma_semaphore, #tpu.memory_space<semaphore_mem>>) {add = true}
        %dma_wait3A_31 = tpu.memref_slice %arg6[%add3A_26] : memref<20480xi32, #tpu.memory_space<vmem>> -> memref<256xi32, #tpu.memory_space<vmem>>
        %dma_wait3A_32 = arith.constant 0 : i32
        %dma_wait3A_33 = arith.constant 0 : i32
        %dma_wait3A_34 = tpu.memref_slice %arg8[%dma_wait3A_32, %dma_wait3A_33] : memref<10112x64xf32, #tpu.memory_space<vmem_shared>> -> memref<10112x64xf32, #tpu.memory_space<vmem_shared>>
        tpu.wait_indirect_dma semaphore(%run_scoped3A : memref<!tpu.dma_semaphore, #tpu.memory_space<semaphore_mem>>) src(%arg7 : memref<256x64xf32, #tpu.memory_space<vmem>>) dst(%dma_wait3A_34 : memref<10112x64xf32, #tpu.memory_space<vmem_shared>>)
        tpu.yield
      }) : () -> ()
    }
    %scan3A_11 = arith.constant 40 : i32
    %barrier3A_12 = arith.constant 0 : index
    tpu.barrier barrier_id(%barrier3A_12)
    "tpu.region"() ({
      %run_scoped3A = tpu.sem_alloc : memref<!tpu.dma_semaphore, #tpu.memory_space<semaphore_mem>>
      %dma_start3A = arith.constant 0 : i32
      %dma_start3A_13 = tpu.memref_slice %arg5[%arg0, %mul3A_2, %dma_start3A] : memref<2x10112x64xf32, #tpu.memory_space<hbm>> -> memref<1x632x64xf32, #tpu.memory_space<hbm>>
      %dma_start3A_14 = tpu.memref_squeeze %dma_start3A_13 : memref<1x632x64xf32, #tpu.memory_space<hbm>> -> memref<632x64xf32, #tpu.memory_space<hbm>>
      %dma_start3A_15 = arith.constant 0 : i32
      %dma_start3A_16 = tpu.memref_slice %arg8[%mul3A_2, %dma_start3A_15] : memref<10112x64xf32, #tpu.memory_space<vmem_shared>> -> memref<632x64xf32, #tpu.memory_space<vmem_shared>>
      tpu.enqueue_dma source(%dma_start3A_16 : memref<632x64xf32, #tpu.memory_space<vmem_shared>>) target(%dma_start3A_14 : memref<632x64xf32, #tpu.memory_space<hbm>>) target_semaphore(%run_scoped3A : memref<!tpu.dma_semaphore, #tpu.memory_space<semaphore_mem>>)
      %dma_wait3A = arith.constant 0 : i32
      %dma_wait3A_17 = tpu.memref_slice %arg5[%arg0, %mul3A_2, %dma_wait3A] : memref<2x10112x64xf32, #tpu.memory_space<hbm>> -> memref<1x632x64xf32, #tpu.memory_space<hbm>>
      %dma_wait3A_18 = tpu.memref_squeeze %dma_wait3A_17 : memref<1x632x64xf32, #tpu.memory_space<hbm>> -> memref<632x64xf32, #tpu.memory_space<hbm>>
      %dma_wait3A_19 = arith.constant 0 : i32
      %dma_wait3A_20 = tpu.memref_slice %arg8[%mul3A_2, %dma_wait3A_19] : memref<10112x64xf32, #tpu.memory_space<vmem_shared>> -> memref<632x64xf32, #tpu.memory_space<vmem_shared>>
      tpu.wait_dma2 semaphore(%run_scoped3A : memref<!tpu.dma_semaphore, #tpu.memory_space<semaphore_mem>>) src(%dma_wait3A_20 : memref<632x64xf32, #tpu.memory_space<vmem_shared>>) dst(%dma_wait3A_18 : memref<632x64xf32, #tpu.memory_space<hbm>>)
      tpu.yield
    }) : () -> ()
    return
  }
}

#map = affine_map<(d0, d1) -> (0, 0)>
#map1 = affine_map<(d0, d1) -> (0)>
#map2 = affine_map<(d0, d1) -> (0, 0, 0)>
module attributes {stable_mosaic.version = 14 : i64} {
  func.func @seg(%arg0: i32, %arg1: i32, %arg2: memref<10112x64xf32, #tpu.memory_space<hbm>>, %arg3: memref<655360xi32, #tpu.memory_space<hbm>>, %arg4: memref<10112x64xf32, #tpu.memory_space<hbm>>, %arg5: memref<2x10112x64xf32, #tpu.memory_space<hbm>>, %arg6: memref<20480xi32, #tpu.memory_space<vmem>>, %arg7: memref<256x64xf32, #tpu.memory_space<vmem>>, %arg8: memref<10112x64xf32, #tpu.memory_space<vmem_shared>>, %arg9: memref<10112x64xf32, #tpu.memory_space<vmem_shared>>, %arg10: memref<!tpu.dma_semaphore, #tpu.memory_space<semaphore_mem>>) attributes {dimension_semantics = [#tpu.dimension_semantics<core_parallel>, #tpu.dimension_semantics<subcore_parallel>], iteration_bounds = array<i64: 2, 16>, scalar_prefetch = 0 : i64, scratch_operands = 5 : i64, tpu.core_type = #tpu.core_type<sc_vector_subcore>, window_params = [{transform_indices = #map}, {transform_indices = #map1}, {transform_indices = #map}, {transform_indices = #map2}]} {
    %mul3A = arith.constant 2 : i32
    %mul3A_0 = arith.muli %arg1, %mul3A : i32
    %add3A = arith.addi %mul3A_0, %arg0 : i32
    %mul3A_1 = arith.constant 632 : i32
    %mul3A_2 = arith.muli %arg1, %mul3A_1 : i32
    "tpu.region"() ({
      %run_scoped3A = tpu.sem_alloc : memref<!tpu.dma_semaphore, #tpu.memory_space<semaphore_mem>>
      %dma_start3A = arith.constant 0 : i32
      %dma_start3A_13 = tpu.memref_slice %arg8[%mul3A_2, %dma_start3A] : memref<10112x64xf32, #tpu.memory_space<vmem_shared>> -> memref<632x64xf32, #tpu.memory_space<vmem_shared>>
      %dma_start3A_14 = arith.constant 0 : i32
      %dma_start3A_15 = tpu.memref_slice %arg4[%mul3A_2, %dma_start3A_14] : memref<10112x64xf32, #tpu.memory_space<hbm>> -> memref<632x64xf32, #tpu.memory_space<hbm>>
      tpu.enqueue_dma source(%dma_start3A_15 : memref<632x64xf32, #tpu.memory_space<hbm>>) target(%dma_start3A_13 : memref<632x64xf32, #tpu.memory_space<vmem_shared>>) target_semaphore(%run_scoped3A : memref<!tpu.dma_semaphore, #tpu.memory_space<semaphore_mem>>)
      %dma_wait3A = arith.constant 0 : i32
      %dma_wait3A_16 = tpu.memref_slice %arg8[%mul3A_2, %dma_wait3A] : memref<10112x64xf32, #tpu.memory_space<vmem_shared>> -> memref<632x64xf32, #tpu.memory_space<vmem_shared>>
      %dma_wait3A_17 = arith.constant 0 : i32
      %dma_wait3A_18 = tpu.memref_slice %arg4[%mul3A_2, %dma_wait3A_17] : memref<10112x64xf32, #tpu.memory_space<hbm>> -> memref<632x64xf32, #tpu.memory_space<hbm>>
      tpu.wait_dma2 semaphore(%run_scoped3A : memref<!tpu.dma_semaphore, #tpu.memory_space<semaphore_mem>>) src(%dma_wait3A_18 : memref<632x64xf32, #tpu.memory_space<hbm>>) dst(%dma_wait3A_16 : memref<632x64xf32, #tpu.memory_space<vmem_shared>>)
      tpu.yield
    }) : () -> ()
    "tpu.region"() ({
      %run_scoped3A = tpu.sem_alloc : memref<!tpu.dma_semaphore, #tpu.memory_space<semaphore_mem>>
      %dma_start3A = arith.constant 0 : i32
      %dma_start3A_13 = tpu.memref_slice %arg9[%mul3A_2, %dma_start3A] : memref<10112x64xf32, #tpu.memory_space<vmem_shared>> -> memref<632x64xf32, #tpu.memory_space<vmem_shared>>
      %dma_start3A_14 = arith.constant 0 : i32
      %dma_start3A_15 = tpu.memref_slice %arg2[%mul3A_2, %dma_start3A_14] : memref<10112x64xf32, #tpu.memory_space<hbm>> -> memref<632x64xf32, #tpu.memory_space<hbm>>
      tpu.enqueue_dma source(%dma_start3A_15 : memref<632x64xf32, #tpu.memory_space<hbm>>) target(%dma_start3A_13 : memref<632x64xf32, #tpu.memory_space<vmem_shared>>) target_semaphore(%run_scoped3A : memref<!tpu.dma_semaphore, #tpu.memory_space<semaphore_mem>>)
      %dma_wait3A = arith.constant 0 : i32
      %dma_wait3A_16 = tpu.memref_slice %arg9[%mul3A_2, %dma_wait3A] : memref<10112x64xf32, #tpu.memory_space<vmem_shared>> -> memref<632x64xf32, #tpu.memory_space<vmem_shared>>
      %dma_wait3A_17 = arith.constant 0 : i32
      %dma_wait3A_18 = tpu.memref_slice %arg2[%mul3A_2, %dma_wait3A_17] : memref<10112x64xf32, #tpu.memory_space<hbm>> -> memref<632x64xf32, #tpu.memory_space<hbm>>
      tpu.wait_dma2 semaphore(%run_scoped3A : memref<!tpu.dma_semaphore, #tpu.memory_space<semaphore_mem>>) src(%dma_wait3A_18 : memref<632x64xf32, #tpu.memory_space<hbm>>) dst(%dma_wait3A_16 : memref<632x64xf32, #tpu.memory_space<vmem_shared>>)
      tpu.yield
    }) : () -> ()
    %barrier3A = arith.constant 0 : index
    tpu.barrier barrier_id(%barrier3A)
    %mul3A_3 = arith.constant 2 : i32
    %mul3A_4 = arith.muli %add3A, %mul3A_3 : i32
    %mul3A_5 = arith.constant 10240 : i32
    %mul3A_6 = arith.muli %mul3A_4, %mul3A_5 : i32
    %multiple_of3A = tpu.assume_multiple %mul3A_6, 512 : i32
    "tpu.region"() ({
      %run_scoped3A = tpu.sem_alloc : memref<!tpu.dma_semaphore, #tpu.memory_space<semaphore_mem>>
      %dma_start3A = tpu.memref_slice %arg3[%multiple_of3A] : memref<655360xi32, #tpu.memory_space<hbm>> -> memref<20480xi32, #tpu.memory_space<hbm>>
      %dma_start3A_13 = tpu.memref_slice %arg3[%multiple_of3A] : memref<655360xi32, #tpu.memory_space<hbm>> -> memref<20480xi32, #tpu.memory_space<hbm>>
      tpu.enqueue_dma source(%dma_start3A_13 : memref<20480xi32, #tpu.memory_space<hbm>>) target(%arg6 : memref<20480xi32, #tpu.memory_space<vmem>>) target_semaphore(%run_scoped3A : memref<!tpu.dma_semaphore, #tpu.memory_space<semaphore_mem>>)
      %dma_wait3A = tpu.memref_slice %arg3[%multiple_of3A] : memref<655360xi32, #tpu.memory_space<hbm>> -> memref<20480xi32, #tpu.memory_space<hbm>>
      %dma_wait3A_14 = tpu.memref_slice %arg3[%multiple_of3A] : memref<655360xi32, #tpu.memory_space<hbm>> -> memref<20480xi32, #tpu.memory_space<hbm>>
      tpu.wait_dma2 semaphore(%run_scoped3A : memref<!tpu.dma_semaphore, #tpu.memory_space<semaphore_mem>>) src(%dma_wait3A_14 : memref<20480xi32, #tpu.memory_space<hbm>>) dst(%arg6 : memref<20480xi32, #tpu.memory_space<vmem>>)
      tpu.yield
    }) : () -> ()
    %scan3A = arith.constant 0 : i32
    %scan3A_7 = arith.constant 0 : i32
    %scan3A_8 = arith.constant 40 : i32
    %scan3A_9 = arith.addi %scan3A_7, %scan3A_8 : i32
    %scan3A_10 = arith.constant 1 : i32
    scf.for %scan3A_13 = %scan3A_7 to %scan3A_9 step %scan3A_10  : i32 {
      %mul3A_14 = arith.constant 2 : i32
      %mul3A_15 = arith.muli %scan3A_13, %mul3A_14 : i32
      %mul3A_16 = arith.constant 256 : i32
      %mul3A_17 = arith.muli %mul3A_15, %mul3A_16 : i32
      %multiple_of3A_18 = tpu.assume_multiple %mul3A_17, 512 : i32
      %dma_start3A = tpu.memref_slice %arg6[%multiple_of3A_18] : memref<20480xi32, #tpu.memory_space<vmem>> -> memref<256xi32, #tpu.memory_space<vmem>>
      %dma_start3A_19 = arith.constant 0 : i32
      %dma_start3A_20 = arith.constant 0 : i32
      %dma_start3A_21 = tpu.memref_slice %arg9[%dma_start3A_19, %dma_start3A_20] : memref<10112x64xf32, #tpu.memory_space<vmem_shared>> -> memref<10112x64xf32, #tpu.memory_space<vmem_shared>>
      tpu.enqueue_indirect_dma source(%dma_start3A_21 : memref<10112x64xf32, #tpu.memory_space<vmem_shared>>) target(%arg7 : memref<256x64xf32, #tpu.memory_space<vmem>>) offsets(%dma_start3A : memref<256xi32, #tpu.memory_space<vmem>>) semaphore(%arg10 : memref<!tpu.dma_semaphore, #tpu.memory_space<semaphore_mem>>)
      %dma_wait3A = tpu.memref_slice %arg6[%multiple_of3A_18] : memref<20480xi32, #tpu.memory_space<vmem>> -> memref<256xi32, #tpu.memory_space<vmem>>
      %dma_wait3A_22 = arith.constant 0 : i32
      %dma_wait3A_23 = arith.constant 0 : i32
      %dma_wait3A_24 = tpu.memref_slice %arg9[%dma_wait3A_22, %dma_wait3A_23] : memref<10112x64xf32, #tpu.memory_space<vmem_shared>> -> memref<10112x64xf32, #tpu.memory_space<vmem_shared>>
      tpu.wait_indirect_dma semaphore(%arg10 : memref<!tpu.dma_semaphore, #tpu.memory_space<semaphore_mem>>) src(%dma_wait3A_24 : memref<10112x64xf32, #tpu.memory_space<vmem_shared>>) dst(%arg7 : memref<256x64xf32, #tpu.memory_space<vmem>>)
      %add3A_25 = arith.constant 256 : i32
      %add3A_26 = arith.addi %multiple_of3A_18, %add3A_25 : i32
      "tpu.region"() ({
        %run_scoped3A = tpu.sem_alloc : memref<!tpu.dma_semaphore, #tpu.memory_space<semaphore_mem>>
        %dma_start3A_27 = tpu.memref_slice %arg6[%add3A_26] : memref<20480xi32, #tpu.memory_space<vmem>> -> memref<256xi32, #tpu.memory_space<vmem>>
        %dma_start3A_28 = arith.constant 0 : i32
        %dma_start3A_29 = arith.constant 0 : i32
        %dma_start3A_30 = tpu.memref_slice %arg8[%dma_start3A_28, %dma_start3A_29] : memref<10112x64xf32, #tpu.memory_space<vmem_shared>> -> memref<10112x64xf32, #tpu.memory_space<vmem_shared>>
        tpu.enqueue_indirect_dma source(%arg7 : memref<256x64xf32, #tpu.memory_space<vmem>>) target(%dma_start3A_30 : memref<10112x64xf32, #tpu.memory_space<vmem_shared>>) offsets(%dma_start3A_27 : memref<256xi32, #tpu.memory_space<vmem>>) semaphore(%run_scoped3A : memref<!tpu.dma_semaphore, #tpu.memory_space<semaphore_mem>>) {add = true}
        %dma_wait3A_31 = tpu.memref_slice %arg6[%add3A_26] : memref<20480xi32, #tpu.memory_space<vmem>> -> memref<256xi32, #tpu.memory_space<vmem>>
        %dma_wait3A_32 = arith.constant 0 : i32
        %dma_wait3A_33 = arith.constant 0 : i32
        %dma_wait3A_34 = tpu.memref_slice %arg8[%dma_wait3A_32, %dma_wait3A_33] : memref<10112x64xf32, #tpu.memory_space<vmem_shared>> -> memref<10112x64xf32, #tpu.memory_space<vmem_shared>>
        tpu.wait_indirect_dma semaphore(%run_scoped3A : memref<!tpu.dma_semaphore, #tpu.memory_space<semaphore_mem>>) src(%arg7 : memref<256x64xf32, #tpu.memory_space<vmem>>) dst(%dma_wait3A_34 : memref<10112x64xf32, #tpu.memory_space<vmem_shared>>)
        tpu.yield
      }) : () -> ()
    }
    %scan3A_11 = arith.constant 40 : i32
    %barrier3A_12 = arith.constant 0 : index
    tpu.barrier barrier_id(%barrier3A_12)
    "tpu.region"() ({
      %run_scoped3A = tpu.sem_alloc : memref<!tpu.dma_semaphore, #tpu.memory_space<semaphore_mem>>
      %dma_start3A = arith.constant 0 : i32
      %dma_start3A_13 = tpu.memref_slice %arg5[%arg0, %mul3A_2, %dma_start3A] : memref<2x10112x64xf32, #tpu.memory_space<hbm>> -> memref<1x632x64xf32, #tpu.memory_space<hbm>>
      %dma_start3A_14 = tpu.memref_squeeze %dma_start3A_13 : memref<1x632x64xf32, #tpu.memory_space<hbm>> -> memref<632x64xf32, #tpu.memory_space<hbm>>
      %dma_start3A_15 = arith.constant 0 : i32
      %dma_start3A_16 = tpu.memref_slice %arg8[%mul3A_2, %dma_start3A_15] : memref<10112x64xf32, #tpu.memory_space<vmem_shared>> -> memref<632x64xf32, #tpu.memory_space<vmem_shared>>
      tpu.enqueue_dma source(%dma_start3A_16 : memref<632x64xf32, #tpu.memory_space<vmem_shared>>) target(%dma_start3A_14 : memref<632x64xf32, #tpu.memory_space<hbm>>) target_semaphore(%run_scoped3A : memref<!tpu.dma_semaphore, #tpu.memory_space<semaphore_mem>>)
      %dma_wait3A = arith.constant 0 : i32
      %dma_wait3A_17 = tpu.memref_slice %arg5[%arg0, %mul3A_2, %dma_wait3A] : memref<2x10112x64xf32, #tpu.memory_space<hbm>> -> memref<1x632x64xf32, #tpu.memory_space<hbm>>
      %dma_wait3A_18 = tpu.memref_squeeze %dma_wait3A_17 : memref<1x632x64xf32, #tpu.memory_space<hbm>> -> memref<632x64xf32, #tpu.memory_space<hbm>>
      %dma_wait3A_19 = arith.constant 0 : i32
      %dma_wait3A_20 = tpu.memref_slice %arg8[%mul3A_2, %dma_wait3A_19] : memref<10112x64xf32, #tpu.memory_space<vmem_shared>> -> memref<632x64xf32, #tpu.memory_space<vmem_shared>>
      tpu.wait_dma2 semaphore(%run_scoped3A : memref<!tpu.dma_semaphore, #tpu.memory_space<semaphore_mem>>) src(%dma_wait3A_20 : memref<632x64xf32, #tpu.memory_space<vmem_shared>>) dst(%dma_wait3A_18 : memref<632x64xf32, #tpu.memory_space<hbm>>)
      tpu.yield
    }) : () -> ()
    return
  }
}

#map = affine_map<(d0, d1) -> (0, 0)>
#map1 = affine_map<(d0, d1) -> (0)>
#map2 = affine_map<(d0, d1) -> (0, 0, 0)>
module attributes {stable_mosaic.version = 14 : i64} {
  func.func @seg(%arg0: i32, %arg1: i32, %arg2: memref<10112x64xf32, #tpu.memory_space<hbm>>, %arg3: memref<655360xi32, #tpu.memory_space<hbm>>, %arg4: memref<10112x64xf32, #tpu.memory_space<hbm>>, %arg5: memref<2x10112x64xf32, #tpu.memory_space<hbm>>, %arg6: memref<20480xi32, #tpu.memory_space<vmem>>, %arg7: memref<256x64xf32, #tpu.memory_space<vmem>>, %arg8: memref<10112x64xf32, #tpu.memory_space<vmem_shared>>, %arg9: memref<10112x64xf32, #tpu.memory_space<vmem_shared>>, %arg10: memref<!tpu.dma_semaphore, #tpu.memory_space<semaphore_mem>>) attributes {dimension_semantics = [#tpu.dimension_semantics<core_parallel>, #tpu.dimension_semantics<subcore_parallel>], iteration_bounds = array<i64: 2, 16>, scalar_prefetch = 0 : i64, scratch_operands = 5 : i64, tpu.core_type = #tpu.core_type<sc_vector_subcore>, window_params = [{transform_indices = #map}, {transform_indices = #map1}, {transform_indices = #map}, {transform_indices = #map2}]} {
    %mul3A = arith.constant 2 : i32
    %mul3A_0 = arith.muli %arg1, %mul3A : i32
    %add3A = arith.addi %mul3A_0, %arg0 : i32
    %mul3A_1 = arith.constant 632 : i32
    %mul3A_2 = arith.muli %arg1, %mul3A_1 : i32
    "tpu.region"() ({
      %run_scoped3A = tpu.sem_alloc : memref<!tpu.dma_semaphore, #tpu.memory_space<semaphore_mem>>
      %dma_start3A = arith.constant 0 : i32
      %dma_start3A_13 = tpu.memref_slice %arg8[%mul3A_2, %dma_start3A] : memref<10112x64xf32, #tpu.memory_space<vmem_shared>> -> memref<632x64xf32, #tpu.memory_space<vmem_shared>>
      %dma_start3A_14 = arith.constant 0 : i32
      %dma_start3A_15 = tpu.memref_slice %arg4[%mul3A_2, %dma_start3A_14] : memref<10112x64xf32, #tpu.memory_space<hbm>> -> memref<632x64xf32, #tpu.memory_space<hbm>>
      tpu.enqueue_dma source(%dma_start3A_15 : memref<632x64xf32, #tpu.memory_space<hbm>>) target(%dma_start3A_13 : memref<632x64xf32, #tpu.memory_space<vmem_shared>>) target_semaphore(%run_scoped3A : memref<!tpu.dma_semaphore, #tpu.memory_space<semaphore_mem>>)
      %dma_wait3A = arith.constant 0 : i32
      %dma_wait3A_16 = tpu.memref_slice %arg8[%mul3A_2, %dma_wait3A] : memref<10112x64xf32, #tpu.memory_space<vmem_shared>> -> memref<632x64xf32, #tpu.memory_space<vmem_shared>>
      %dma_wait3A_17 = arith.constant 0 : i32
      %dma_wait3A_18 = tpu.memref_slice %arg4[%mul3A_2, %dma_wait3A_17] : memref<10112x64xf32, #tpu.memory_space<hbm>> -> memref<632x64xf32, #tpu.memory_space<hbm>>
      tpu.wait_dma2 semaphore(%run_scoped3A : memref<!tpu.dma_semaphore, #tpu.memory_space<semaphore_mem>>) src(%dma_wait3A_18 : memref<632x64xf32, #tpu.memory_space<hbm>>) dst(%dma_wait3A_16 : memref<632x64xf32, #tpu.memory_space<vmem_shared>>)
      tpu.yield
    }) : () -> ()
    "tpu.region"() ({
      %run_scoped3A = tpu.sem_alloc : memref<!tpu.dma_semaphore, #tpu.memory_space<semaphore_mem>>
      %dma_start3A = arith.constant 0 : i32
      %dma_start3A_13 = tpu.memref_slice %arg9[%mul3A_2, %dma_start3A] : memref<10112x64xf32, #tpu.memory_space<vmem_shared>> -> memref<632x64xf32, #tpu.memory_space<vmem_shared>>
      %dma_start3A_14 = arith.constant 0 : i32
      %dma_start3A_15 = tpu.memref_slice %arg2[%mul3A_2, %dma_start3A_14] : memref<10112x64xf32, #tpu.memory_space<hbm>> -> memref<632x64xf32, #tpu.memory_space<hbm>>
      tpu.enqueue_dma source(%dma_start3A_15 : memref<632x64xf32, #tpu.memory_space<hbm>>) target(%dma_start3A_13 : memref<632x64xf32, #tpu.memory_space<vmem_shared>>) target_semaphore(%run_scoped3A : memref<!tpu.dma_semaphore, #tpu.memory_space<semaphore_mem>>)
      %dma_wait3A = arith.constant 0 : i32
      %dma_wait3A_16 = tpu.memref_slice %arg9[%mul3A_2, %dma_wait3A] : memref<10112x64xf32, #tpu.memory_space<vmem_shared>> -> memref<632x64xf32, #tpu.memory_space<vmem_shared>>
      %dma_wait3A_17 = arith.constant 0 : i32
      %dma_wait3A_18 = tpu.memref_slice %arg2[%mul3A_2, %dma_wait3A_17] : memref<10112x64xf32, #tpu.memory_space<hbm>> -> memref<632x64xf32, #tpu.memory_space<hbm>>
      tpu.wait_dma2 semaphore(%run_scoped3A : memref<!tpu.dma_semaphore, #tpu.memory_space<semaphore_mem>>) src(%dma_wait3A_18 : memref<632x64xf32, #tpu.memory_space<hbm>>) dst(%dma_wait3A_16 : memref<632x64xf32, #tpu.memory_space<vmem_shared>>)
      tpu.yield
    }) : () -> ()
    %barrier3A = arith.constant 0 : index
    tpu.barrier barrier_id(%barrier3A)
    %mul3A_3 = arith.constant 2 : i32
    %mul3A_4 = arith.muli %add3A, %mul3A_3 : i32
    %mul3A_5 = arith.constant 10240 : i32
    %mul3A_6 = arith.muli %mul3A_4, %mul3A_5 : i32
    %multiple_of3A = tpu.assume_multiple %mul3A_6, 512 : i32
    "tpu.region"() ({
      %run_scoped3A = tpu.sem_alloc : memref<!tpu.dma_semaphore, #tpu.memory_space<semaphore_mem>>
      %dma_start3A = tpu.memref_slice %arg3[%multiple_of3A] : memref<655360xi32, #tpu.memory_space<hbm>> -> memref<20480xi32, #tpu.memory_space<hbm>>
      %dma_start3A_13 = tpu.memref_slice %arg3[%multiple_of3A] : memref<655360xi32, #tpu.memory_space<hbm>> -> memref<20480xi32, #tpu.memory_space<hbm>>
      tpu.enqueue_dma source(%dma_start3A_13 : memref<20480xi32, #tpu.memory_space<hbm>>) target(%arg6 : memref<20480xi32, #tpu.memory_space<vmem>>) target_semaphore(%run_scoped3A : memref<!tpu.dma_semaphore, #tpu.memory_space<semaphore_mem>>)
      %dma_wait3A = tpu.memref_slice %arg3[%multiple_of3A] : memref<655360xi32, #tpu.memory_space<hbm>> -> memref<20480xi32, #tpu.memory_space<hbm>>
      %dma_wait3A_14 = tpu.memref_slice %arg3[%multiple_of3A] : memref<655360xi32, #tpu.memory_space<hbm>> -> memref<20480xi32, #tpu.memory_space<hbm>>
      tpu.wait_dma2 semaphore(%run_scoped3A : memref<!tpu.dma_semaphore, #tpu.memory_space<semaphore_mem>>) src(%dma_wait3A_14 : memref<20480xi32, #tpu.memory_space<hbm>>) dst(%arg6 : memref<20480xi32, #tpu.memory_space<vmem>>)
      tpu.yield
    }) : () -> ()
    %scan3A = arith.constant 0 : i32
    %scan3A_7 = arith.constant 0 : i32
    %scan3A_8 = arith.constant 40 : i32
    %scan3A_9 = arith.addi %scan3A_7, %scan3A_8 : i32
    %scan3A_10 = arith.constant 1 : i32
    scf.for %scan3A_13 = %scan3A_7 to %scan3A_9 step %scan3A_10  : i32 {
      %mul3A_14 = arith.constant 2 : i32
      %mul3A_15 = arith.muli %scan3A_13, %mul3A_14 : i32
      %mul3A_16 = arith.constant 256 : i32
      %mul3A_17 = arith.muli %mul3A_15, %mul3A_16 : i32
      %multiple_of3A_18 = tpu.assume_multiple %mul3A_17, 512 : i32
      %dma_start3A = tpu.memref_slice %arg6[%multiple_of3A_18] : memref<20480xi32, #tpu.memory_space<vmem>> -> memref<256xi32, #tpu.memory_space<vmem>>
      %dma_start3A_19 = arith.constant 0 : i32
      %dma_start3A_20 = arith.constant 0 : i32
      %dma_start3A_21 = tpu.memref_slice %arg9[%dma_start3A_19, %dma_start3A_20] : memref<10112x64xf32, #tpu.memory_space<vmem_shared>> -> memref<10112x64xf32, #tpu.memory_space<vmem_shared>>
      tpu.enqueue_indirect_dma source(%dma_start3A_21 : memref<10112x64xf32, #tpu.memory_space<vmem_shared>>) target(%arg7 : memref<256x64xf32, #tpu.memory_space<vmem>>) offsets(%dma_start3A : memref<256xi32, #tpu.memory_space<vmem>>) semaphore(%arg10 : memref<!tpu.dma_semaphore, #tpu.memory_space<semaphore_mem>>)
      %dma_wait3A = tpu.memref_slice %arg6[%multiple_of3A_18] : memref<20480xi32, #tpu.memory_space<vmem>> -> memref<256xi32, #tpu.memory_space<vmem>>
      %dma_wait3A_22 = arith.constant 0 : i32
      %dma_wait3A_23 = arith.constant 0 : i32
      %dma_wait3A_24 = tpu.memref_slice %arg9[%dma_wait3A_22, %dma_wait3A_23] : memref<10112x64xf32, #tpu.memory_space<vmem_shared>> -> memref<10112x64xf32, #tpu.memory_space<vmem_shared>>
      tpu.wait_indirect_dma semaphore(%arg10 : memref<!tpu.dma_semaphore, #tpu.memory_space<semaphore_mem>>) src(%dma_wait3A_24 : memref<10112x64xf32, #tpu.memory_space<vmem_shared>>) dst(%arg7 : memref<256x64xf32, #tpu.memory_space<vmem>>)
      %add3A_25 = arith.constant 256 : i32
      %add3A_26 = arith.addi %multiple_of3A_18, %add3A_25 : i32
      "tpu.region"() ({
        %run_scoped3A = tpu.sem_alloc : memref<!tpu.dma_semaphore, #tpu.memory_space<semaphore_mem>>
        %dma_start3A_27 = tpu.memref_slice %arg6[%add3A_26] : memref<20480xi32, #tpu.memory_space<vmem>> -> memref<256xi32, #tpu.memory_space<vmem>>
        %dma_start3A_28 = arith.constant 0 : i32
        %dma_start3A_29 = arith.constant 0 : i32
        %dma_start3A_30 = tpu.memref_slice %arg8[%dma_start3A_28, %dma_start3A_29] : memref<10112x64xf32, #tpu.memory_space<vmem_shared>> -> memref<10112x64xf32, #tpu.memory_space<vmem_shared>>
        tpu.enqueue_indirect_dma source(%arg7 : memref<256x64xf32, #tpu.memory_space<vmem>>) target(%dma_start3A_30 : memref<10112x64xf32, #tpu.memory_space<vmem_shared>>) offsets(%dma_start3A_27 : memref<256xi32, #tpu.memory_space<vmem>>) semaphore(%run_scoped3A : memref<!tpu.dma_semaphore, #tpu.memory_space<semaphore_mem>>) {add = true}
        %dma_wait3A_31 = tpu.memref_slice %arg6[%add3A_26] : memref<20480xi32, #tpu.memory_space<vmem>> -> memref<256xi32, #tpu.memory_space<vmem>>
        %dma_wait3A_32 = arith.constant 0 : i32
        %dma_wait3A_33 = arith.constant 0 : i32
        %dma_wait3A_34 = tpu.memref_slice %arg8[%dma_wait3A_32, %dma_wait3A_33] : memref<10112x64xf32, #tpu.memory_space<vmem_shared>> -> memref<10112x64xf32, #tpu.memory_space<vmem_shared>>
        tpu.wait_indirect_dma semaphore(%run_scoped3A : memref<!tpu.dma_semaphore, #tpu.memory_space<semaphore_mem>>) src(%arg7 : memref<256x64xf32, #tpu.memory_space<vmem>>) dst(%dma_wait3A_34 : memref<10112x64xf32, #tpu.memory_space<vmem_shared>>)
        tpu.yield
      }) : () -> ()
    }
    %scan3A_11 = arith.constant 40 : i32
    %barrier3A_12 = arith.constant 0 : index
    tpu.barrier barrier_id(%barrier3A_12)
    "tpu.region"() ({
      %run_scoped3A = tpu.sem_alloc : memref<!tpu.dma_semaphore, #tpu.memory_space<semaphore_mem>>
      %dma_start3A = arith.constant 0 : i32
      %dma_start3A_13 = tpu.memref_slice %arg5[%arg0, %mul3A_2, %dma_start3A] : memref<2x10112x64xf32, #tpu.memory_space<hbm>> -> memref<1x632x64xf32, #tpu.memory_space<hbm>>
      %dma_start3A_14 = tpu.memref_squeeze %dma_start3A_13 : memref<1x632x64xf32, #tpu.memory_space<hbm>> -> memref<632x64xf32, #tpu.memory_space<hbm>>
      %dma_start3A_15 = arith.constant 0 : i32
      %dma_start3A_16 = tpu.memref_slice %arg8[%mul3A_2, %dma_start3A_15] : memref<10112x64xf32, #tpu.memory_space<vmem_shared>> -> memref<632x64xf32, #tpu.memory_space<vmem_shared>>
      tpu.enqueue_dma source(%dma_start3A_16 : memref<632x64xf32, #tpu.memory_space<vmem_shared>>) target(%dma_start3A_14 : memref<632x64xf32, #tpu.memory_space<hbm>>) target_semaphore(%run_scoped3A : memref<!tpu.dma_semaphore, #tpu.memory_space<semaphore_mem>>)
      %dma_wait3A = arith.constant 0 : i32
      %dma_wait3A_17 = tpu.memref_slice %arg5[%arg0, %mul3A_2, %dma_wait3A] : memref<2x10112x64xf32, #tpu.memory_space<hbm>> -> memref<1x632x64xf32, #tpu.memory_space<hbm>>
      %dma_wait3A_18 = tpu.memref_squeeze %dma_wait3A_17 : memref<1x632x64xf32, #tpu.memory_space<hbm>> -> memref<632x64xf32, #tpu.memory_space<hbm>>
      %dma_wait3A_19 = arith.constant 0 : i32
      %dma_wait3A_20 = tpu.memref_slice %arg8[%mul3A_2, %dma_wait3A_19] : memref<10112x64xf32, #tpu.memory_space<vmem_shared>> -> memref<632x64xf32, #tpu.memory_space<vmem_shared>>
      tpu.wait_dma2 semaphore(%run_scoped3A : memref<!tpu.dma_semaphore, #tpu.memory_space<semaphore_mem>>) src(%dma_wait3A_20 : memref<632x64xf32, #tpu.memory_space<vmem_shared>>) dst(%dma_wait3A_18 : memref<632x64xf32, #tpu.memory_space<hbm>>)
      tpu.yield
    }) : () -> ()
    return
  }
}

#map = affine_map<(d0, d1) -> (0, 0)>
#map1 = affine_map<(d0, d1) -> (0)>
#map2 = affine_map<(d0, d1) -> (0, 0, 0)>
module attributes {stable_mosaic.version = 14 : i64} {
  func.func @seg(%arg0: i32, %arg1: i32, %arg2: memref<10112x64xf32, #tpu.memory_space<hbm>>, %arg3: memref<655360xi32, #tpu.memory_space<hbm>>, %arg4: memref<10112x64xf32, #tpu.memory_space<hbm>>, %arg5: memref<2x10112x64xf32, #tpu.memory_space<hbm>>, %arg6: memref<20480xi32, #tpu.memory_space<vmem>>, %arg7: memref<256x64xf32, #tpu.memory_space<vmem>>, %arg8: memref<10112x64xf32, #tpu.memory_space<vmem_shared>>, %arg9: memref<10112x64xf32, #tpu.memory_space<vmem_shared>>, %arg10: memref<!tpu.dma_semaphore, #tpu.memory_space<semaphore_mem>>) attributes {dimension_semantics = [#tpu.dimension_semantics<core_parallel>, #tpu.dimension_semantics<subcore_parallel>], iteration_bounds = array<i64: 2, 16>, scalar_prefetch = 0 : i64, scratch_operands = 5 : i64, tpu.core_type = #tpu.core_type<sc_vector_subcore>, window_params = [{transform_indices = #map}, {transform_indices = #map1}, {transform_indices = #map}, {transform_indices = #map2}]} {
    %mul3A = arith.constant 2 : i32
    %mul3A_0 = arith.muli %arg1, %mul3A : i32
    %add3A = arith.addi %mul3A_0, %arg0 : i32
    %mul3A_1 = arith.constant 632 : i32
    %mul3A_2 = arith.muli %arg1, %mul3A_1 : i32
    "tpu.region"() ({
      %run_scoped3A = tpu.sem_alloc : memref<!tpu.dma_semaphore, #tpu.memory_space<semaphore_mem>>
      %dma_start3A = arith.constant 0 : i32
      %dma_start3A_13 = tpu.memref_slice %arg8[%mul3A_2, %dma_start3A] : memref<10112x64xf32, #tpu.memory_space<vmem_shared>> -> memref<632x64xf32, #tpu.memory_space<vmem_shared>>
      %dma_start3A_14 = arith.constant 0 : i32
      %dma_start3A_15 = tpu.memref_slice %arg4[%mul3A_2, %dma_start3A_14] : memref<10112x64xf32, #tpu.memory_space<hbm>> -> memref<632x64xf32, #tpu.memory_space<hbm>>
      tpu.enqueue_dma source(%dma_start3A_15 : memref<632x64xf32, #tpu.memory_space<hbm>>) target(%dma_start3A_13 : memref<632x64xf32, #tpu.memory_space<vmem_shared>>) target_semaphore(%run_scoped3A : memref<!tpu.dma_semaphore, #tpu.memory_space<semaphore_mem>>)
      %dma_wait3A = arith.constant 0 : i32
      %dma_wait3A_16 = tpu.memref_slice %arg8[%mul3A_2, %dma_wait3A] : memref<10112x64xf32, #tpu.memory_space<vmem_shared>> -> memref<632x64xf32, #tpu.memory_space<vmem_shared>>
      %dma_wait3A_17 = arith.constant 0 : i32
      %dma_wait3A_18 = tpu.memref_slice %arg4[%mul3A_2, %dma_wait3A_17] : memref<10112x64xf32, #tpu.memory_space<hbm>> -> memref<632x64xf32, #tpu.memory_space<hbm>>
      tpu.wait_dma2 semaphore(%run_scoped3A : memref<!tpu.dma_semaphore, #tpu.memory_space<semaphore_mem>>) src(%dma_wait3A_18 : memref<632x64xf32, #tpu.memory_space<hbm>>) dst(%dma_wait3A_16 : memref<632x64xf32, #tpu.memory_space<vmem_shared>>)
      tpu.yield
    }) : () -> ()
    "tpu.region"() ({
      %run_scoped3A = tpu.sem_alloc : memref<!tpu.dma_semaphore, #tpu.memory_space<semaphore_mem>>
      %dma_start3A = arith.constant 0 : i32
      %dma_start3A_13 = tpu.memref_slice %arg9[%mul3A_2, %dma_start3A] : memref<10112x64xf32, #tpu.memory_space<vmem_shared>> -> memref<632x64xf32, #tpu.memory_space<vmem_shared>>
      %dma_start3A_14 = arith.constant 0 : i32
      %dma_start3A_15 = tpu.memref_slice %arg2[%mul3A_2, %dma_start3A_14] : memref<10112x64xf32, #tpu.memory_space<hbm>> -> memref<632x64xf32, #tpu.memory_space<hbm>>
      tpu.enqueue_dma source(%dma_start3A_15 : memref<632x64xf32, #tpu.memory_space<hbm>>) target(%dma_start3A_13 : memref<632x64xf32, #tpu.memory_space<vmem_shared>>) target_semaphore(%run_scoped3A : memref<!tpu.dma_semaphore, #tpu.memory_space<semaphore_mem>>)
      %dma_wait3A = arith.constant 0 : i32
      %dma_wait3A_16 = tpu.memref_slice %arg9[%mul3A_2, %dma_wait3A] : memref<10112x64xf32, #tpu.memory_space<vmem_shared>> -> memref<632x64xf32, #tpu.memory_space<vmem_shared>>
      %dma_wait3A_17 = arith.constant 0 : i32
      %dma_wait3A_18 = tpu.memref_slice %arg2[%mul3A_2, %dma_wait3A_17] : memref<10112x64xf32, #tpu.memory_space<hbm>> -> memref<632x64xf32, #tpu.memory_space<hbm>>
      tpu.wait_dma2 semaphore(%run_scoped3A : memref<!tpu.dma_semaphore, #tpu.memory_space<semaphore_mem>>) src(%dma_wait3A_18 : memref<632x64xf32, #tpu.memory_space<hbm>>) dst(%dma_wait3A_16 : memref<632x64xf32, #tpu.memory_space<vmem_shared>>)
      tpu.yield
    }) : () -> ()
    %barrier3A = arith.constant 0 : index
    tpu.barrier barrier_id(%barrier3A)
    %mul3A_3 = arith.constant 2 : i32
    %mul3A_4 = arith.muli %add3A, %mul3A_3 : i32
    %mul3A_5 = arith.constant 10240 : i32
    %mul3A_6 = arith.muli %mul3A_4, %mul3A_5 : i32
    %multiple_of3A = tpu.assume_multiple %mul3A_6, 512 : i32
    "tpu.region"() ({
      %run_scoped3A = tpu.sem_alloc : memref<!tpu.dma_semaphore, #tpu.memory_space<semaphore_mem>>
      %dma_start3A = tpu.memref_slice %arg3[%multiple_of3A] : memref<655360xi32, #tpu.memory_space<hbm>> -> memref<20480xi32, #tpu.memory_space<hbm>>
      %dma_start3A_13 = tpu.memref_slice %arg3[%multiple_of3A] : memref<655360xi32, #tpu.memory_space<hbm>> -> memref<20480xi32, #tpu.memory_space<hbm>>
      tpu.enqueue_dma source(%dma_start3A_13 : memref<20480xi32, #tpu.memory_space<hbm>>) target(%arg6 : memref<20480xi32, #tpu.memory_space<vmem>>) target_semaphore(%run_scoped3A : memref<!tpu.dma_semaphore, #tpu.memory_space<semaphore_mem>>)
      %dma_wait3A = tpu.memref_slice %arg3[%multiple_of3A] : memref<655360xi32, #tpu.memory_space<hbm>> -> memref<20480xi32, #tpu.memory_space<hbm>>
      %dma_wait3A_14 = tpu.memref_slice %arg3[%multiple_of3A] : memref<655360xi32, #tpu.memory_space<hbm>> -> memref<20480xi32, #tpu.memory_space<hbm>>
      tpu.wait_dma2 semaphore(%run_scoped3A : memref<!tpu.dma_semaphore, #tpu.memory_space<semaphore_mem>>) src(%dma_wait3A_14 : memref<20480xi32, #tpu.memory_space<hbm>>) dst(%arg6 : memref<20480xi32, #tpu.memory_space<vmem>>)
      tpu.yield
    }) : () -> ()
    %scan3A = arith.constant 0 : i32
    %scan3A_7 = arith.constant 0 : i32
    %scan3A_8 = arith.constant 40 : i32
    %scan3A_9 = arith.addi %scan3A_7, %scan3A_8 : i32
    %scan3A_10 = arith.constant 1 : i32
    scf.for %scan3A_13 = %scan3A_7 to %scan3A_9 step %scan3A_10  : i32 {
      %mul3A_14 = arith.constant 2 : i32
      %mul3A_15 = arith.muli %scan3A_13, %mul3A_14 : i32
      %mul3A_16 = arith.constant 256 : i32
      %mul3A_17 = arith.muli %mul3A_15, %mul3A_16 : i32
      %multiple_of3A_18 = tpu.assume_multiple %mul3A_17, 512 : i32
      %dma_start3A = tpu.memref_slice %arg6[%multiple_of3A_18] : memref<20480xi32, #tpu.memory_space<vmem>> -> memref<256xi32, #tpu.memory_space<vmem>>
      %dma_start3A_19 = arith.constant 0 : i32
      %dma_start3A_20 = arith.constant 0 : i32
      %dma_start3A_21 = tpu.memref_slice %arg9[%dma_start3A_19, %dma_start3A_20] : memref<10112x64xf32, #tpu.memory_space<vmem_shared>> -> memref<10112x64xf32, #tpu.memory_space<vmem_shared>>
      tpu.enqueue_indirect_dma source(%dma_start3A_21 : memref<10112x64xf32, #tpu.memory_space<vmem_shared>>) target(%arg7 : memref<256x64xf32, #tpu.memory_space<vmem>>) offsets(%dma_start3A : memref<256xi32, #tpu.memory_space<vmem>>) semaphore(%arg10 : memref<!tpu.dma_semaphore, #tpu.memory_space<semaphore_mem>>)
      %dma_wait3A = tpu.memref_slice %arg6[%multiple_of3A_18] : memref<20480xi32, #tpu.memory_space<vmem>> -> memref<256xi32, #tpu.memory_space<vmem>>
      %dma_wait3A_22 = arith.constant 0 : i32
      %dma_wait3A_23 = arith.constant 0 : i32
      %dma_wait3A_24 = tpu.memref_slice %arg9[%dma_wait3A_22, %dma_wait3A_23] : memref<10112x64xf32, #tpu.memory_space<vmem_shared>> -> memref<10112x64xf32, #tpu.memory_space<vmem_shared>>
      tpu.wait_indirect_dma semaphore(%arg10 : memref<!tpu.dma_semaphore, #tpu.memory_space<semaphore_mem>>) src(%dma_wait3A_24 : memref<10112x64xf32, #tpu.memory_space<vmem_shared>>) dst(%arg7 : memref<256x64xf32, #tpu.memory_space<vmem>>)
      %add3A_25 = arith.constant 256 : i32
      %add3A_26 = arith.addi %multiple_of3A_18, %add3A_25 : i32
      "tpu.region"() ({
        %run_scoped3A = tpu.sem_alloc : memref<!tpu.dma_semaphore, #tpu.memory_space<semaphore_mem>>
        %dma_start3A_27 = tpu.memref_slice %arg6[%add3A_26] : memref<20480xi32, #tpu.memory_space<vmem>> -> memref<256xi32, #tpu.memory_space<vmem>>
        %dma_start3A_28 = arith.constant 0 : i32
        %dma_start3A_29 = arith.constant 0 : i32
        %dma_start3A_30 = tpu.memref_slice %arg8[%dma_start3A_28, %dma_start3A_29] : memref<10112x64xf32, #tpu.memory_space<vmem_shared>> -> memref<10112x64xf32, #tpu.memory_space<vmem_shared>>
        tpu.enqueue_indirect_dma source(%arg7 : memref<256x64xf32, #tpu.memory_space<vmem>>) target(%dma_start3A_30 : memref<10112x64xf32, #tpu.memory_space<vmem_shared>>) offsets(%dma_start3A_27 : memref<256xi32, #tpu.memory_space<vmem>>) semaphore(%run_scoped3A : memref<!tpu.dma_semaphore, #tpu.memory_space<semaphore_mem>>) {add = true}
        %dma_wait3A_31 = tpu.memref_slice %arg6[%add3A_26] : memref<20480xi32, #tpu.memory_space<vmem>> -> memref<256xi32, #tpu.memory_space<vmem>>
        %dma_wait3A_32 = arith.constant 0 : i32
        %dma_wait3A_33 = arith.constant 0 : i32
        %dma_wait3A_34 = tpu.memref_slice %arg8[%dma_wait3A_32, %dma_wait3A_33] : memref<10112x64xf32, #tpu.memory_space<vmem_shared>> -> memref<10112x64xf32, #tpu.memory_space<vmem_shared>>
        tpu.wait_indirect_dma semaphore(%run_scoped3A : memref<!tpu.dma_semaphore, #tpu.memory_space<semaphore_mem>>) src(%arg7 : memref<256x64xf32, #tpu.memory_space<vmem>>) dst(%dma_wait3A_34 : memref<10112x64xf32, #tpu.memory_space<vmem_shared>>)
        tpu.yield
      }) : () -> ()
    }
    %scan3A_11 = arith.constant 40 : i32
    %barrier3A_12 = arith.constant 0 : index
    tpu.barrier barrier_id(%barrier3A_12)
    "tpu.region"() ({
      %run_scoped3A = tpu.sem_alloc : memref<!tpu.dma_semaphore, #tpu.memory_space<semaphore_mem>>
      %dma_start3A = arith.constant 0 : i32
      %dma_start3A_13 = tpu.memref_slice %arg5[%arg0, %mul3A_2, %dma_start3A] : memref<2x10112x64xf32, #tpu.memory_space<hbm>> -> memref<1x632x64xf32, #tpu.memory_space<hbm>>
      %dma_start3A_14 = tpu.memref_squeeze %dma_start3A_13 : memref<1x632x64xf32, #tpu.memory_space<hbm>> -> memref<632x64xf32, #tpu.memory_space<hbm>>
      %dma_start3A_15 = arith.constant 0 : i32
      %dma_start3A_16 = tpu.memref_slice %arg8[%mul3A_2, %dma_start3A_15] : memref<10112x64xf32, #tpu.memory_space<vmem_shared>> -> memref<632x64xf32, #tpu.memory_space<vmem_shared>>
      tpu.enqueue_dma source(%dma_start3A_16 : memref<632x64xf32, #tpu.memory_space<vmem_shared>>) target(%dma_start3A_14 : memref<632x64xf32, #tpu.memory_space<hbm>>) target_semaphore(%run_scoped3A : memref<!tpu.dma_semaphore, #tpu.memory_space<semaphore_mem>>)
      %dma_wait3A = arith.constant 0 : i32
      %dma_wait3A_17 = tpu.memref_slice %arg5[%arg0, %mul3A_2, %dma_wait3A] : memref<2x10112x64xf32, #tpu.memory_space<hbm>> -> memref<1x632x64xf32, #tpu.memory_space<hbm>>
      %dma_wait3A_18 = tpu.memref_squeeze %dma_wait3A_17 : memref<1x632x64xf32, #tpu.memory_space<hbm>> -> memref<632x64xf32, #tpu.memory_space<hbm>>
      %dma_wait3A_19 = arith.constant 0 : i32
      %dma_wait3A_20 = tpu.memref_slice %arg8[%mul3A_2, %dma_wait3A_19] : memref<10112x64xf32, #tpu.memory_space<vmem_shared>> -> memref<632x64xf32, #tpu.memory_space<vmem_shared>>
      tpu.wait_dma2 semaphore(%run_scoped3A : memref<!tpu.dma_semaphore, #tpu.memory_space<semaphore_mem>>) src(%dma_wait3A_20 : memref<632x64xf32, #tpu.memory_space<vmem_shared>>) dst(%dma_wait3A_18 : memref<632x64xf32, #tpu.memory_space<hbm>>)
      tpu.yield
    }) : () -> ()
    return
  }
}

module attributes {stable_mosaic.version = 14 : i64} {
  func.func @_mm_body(%arg0: i32, %arg1: memref<1000x128xf32, #tpu.memory_space<vmem>>, %arg2: memref<128x128xf32, #tpu.memory_space<vmem>>, %arg3: memref<1000x128xf32, #tpu.memory_space<vmem>>) attributes {dimension_semantics = [#tpu.dimension_semantics<arbitrary>], iteration_bounds = array<i64: 10>, scalar_prefetch = 0 : i64, scratch_operands = 0 : i64, tpu.core_type = #tpu.core_type<tc>, window_params = [{transform_indices = @transform_0, window_bounds = array<i64: 1000, 128>}, {pipeline_mode = #tpu.pipeline_mode<synchronous>, transform_indices = @transform_1, window_bounds = array<i64: 128, 128>}, {transform_indices = @transform_2, window_bounds = array<i64: 1000, 128>}]} {
    %get3A = arith.constant 0 : index
    %get3A_0 = arith.constant 0 : index
    %get3A_1 = vector.load %arg1[%get3A, %get3A_0] : memref<1000x128xf32, #tpu.memory_space<vmem>>, vector<1000x128xf32>
    %get3A_2 = arith.constant 0 : index
    %get3A_3 = arith.constant 0 : index
    %get3A_4 = vector.load %arg2[%get3A_2, %get3A_3] : memref<128x128xf32, #tpu.memory_space<vmem>>, vector<128x128xf32>
    %dot_general3A = arith.constant dense<0.000000e+00> : vector<1000x128xf32>
    %dot_general3A_5 = tpu.matmul %get3A_1, %get3A_4, %dot_general3A {dimension_numbers = #tpu.dot_dimension_numbers<[1], [0], [0], [1], [0, 0, 1, 1], [], []>, transpose_lhs_hint = false} : vector<1000x128xf32>, vector<128x128xf32>, vector<1000x128xf32> -> vector<1000x128xf32>
    %swap3A = arith.constant 0 : index
    %swap3A_6 = arith.constant 0 : index
    %swap3A_7 = vector.load %arg3[%swap3A, %swap3A_6] : memref<1000x128xf32, #tpu.memory_space<vmem>>, vector<1000x128xf32>
    tpu.vector_store %arg3[%swap3A, %swap3A_6], %dot_general3A_5 {strides = array<i32>} : memref<1000x128xf32, #tpu.memory_space<vmem>>, vector<1000x128xf32>,
    return
  }
  func.func @transform_0(%arg0: i32) -> (i32, i32) {
    %c0_i32 = arith.constant 0 : i32
    %c0_i32_0 = arith.constant 0 : i32
    return %arg0, %c0_i32 : i32, i32
  }
  func.func @transform_1(%arg0: i32) -> (i32, i32) {
    %c0_i32 = arith.constant 0 : i32
    %c0_i32_0 = arith.constant 0 : i32
    %c0_i32_1 = arith.constant 0 : i32
    return %c0_i32, %c0_i32_0 : i32, i32
  }
  func.func @transform_2(%arg0: i32) -> (i32, i32) {
    %c0_i32 = arith.constant 0 : i32
    %c0_i32_0 = arith.constant 0 : i32
    return %arg0, %c0_i32 : i32, i32
  }
}

module attributes {stable_mosaic.version = 14 : i64} {
  func.func @_enc2_body(%arg0: i32, %arg1: memref<2x2000x64xf32, #tpu.memory_space<vmem>>, %arg2: memref<64x64xf32, #tpu.memory_space<vmem>>, %arg3: memref<2000x64xf32, #tpu.memory_space<vmem>>) attributes {dimension_semantics = [#tpu.dimension_semantics<arbitrary>], iteration_bounds = array<i64: 5>, scalar_prefetch = 0 : i64, scratch_operands = 0 : i64, tpu.core_type = #tpu.core_type<tc>, window_params = [{transform_indices = @transform_0, window_bounds = array<i64: 2, 2000, 64>}, {pipeline_mode = #tpu.pipeline_mode<synchronous>, transform_indices = @transform_1, window_bounds = array<i64: 64, 64>}, {transform_indices = @transform_2, window_bounds = array<i64: 2000, 64>}]} {
    %get3A = arith.constant 0 : index
    %get3A_0 = arith.constant 0 : index
    %get3A_1 = arith.constant 0 : index
    %get3A_2 = vector.load %arg1[%get3A, %get3A_0, %get3A_1] : memref<2x2000x64xf32, #tpu.memory_space<vmem>>, vector<1x2000x64xf32>
    %get3A_3 = vector.shape_cast %get3A_2 : vector<1x2000x64xf32> to vector<2000x64xf32>
    %get3A_4 = arith.constant 1 : index
    %get3A_5 = arith.constant 0 : index
    %get3A_6 = arith.constant 0 : index
    %get3A_7 = vector.load %arg1[%get3A_4, %get3A_5, %get3A_6] : memref<2x2000x64xf32, #tpu.memory_space<vmem>>, vector<1x2000x64xf32>
    %get3A_8 = vector.shape_cast %get3A_7 : vector<1x2000x64xf32> to vector<2000x64xf32>
    %add3A = arith.addf %get3A_3, %get3A_8 : vector<2000x64xf32>
    %max3A = arith.constant 0.000000e+00 : f32
    %max3A_9 = vector.broadcast %max3A : f32 to vector<2000x64xf32>
    %max3A_10 = arith.maximumf %add3A, %max3A_9 : vector<2000x64xf32>
    %get3A_11 = arith.constant 0 : index
    %get3A_12 = arith.constant 0 : index
    %get3A_13 = vector.load %arg2[%get3A_11, %get3A_12] : memref<64x64xf32, #tpu.memory_space<vmem>>, vector<64x64xf32>
    %dot_general3A = arith.constant dense<0.000000e+00> : vector<2000x64xf32>
    %dot_general3A_14 = tpu.matmul %max3A_10, %get3A_13, %dot_general3A {dimension_numbers = #tpu.dot_dimension_numbers<[1], [0], [0], [1], [0, 0, 1, 1], [], []>, transpose_lhs_hint = false} : vector<2000x64xf32>, vector<64x64xf32>, vector<2000x64xf32> -> vector<2000x64xf32>
    %swap3A = arith.constant 0 : index
    %swap3A_15 = arith.constant 0 : index
    %swap3A_16 = vector.load %arg3[%swap3A, %swap3A_15] : memref<2000x64xf32, #tpu.memory_space<vmem>>, vector<2000x64xf32>
    tpu.vector_store %arg3[%swap3A, %swap3A_15], %dot_general3A_14 {strides = array<i32>} : memref<2000x64xf32, #tpu.memory_space<vmem>>, vector<2000x64xf32>,
    return
  }
  func.func @transform_0(%arg0: i32) -> (i32, i32, i32) {
    %c0_i32 = arith.constant 0 : i32
    %c0_i32_0 = arith.constant 0 : i32
    %c0_i32_1 = arith.constant 0 : i32
    return %c0_i32, %arg0, %c0_i32_0 : i32, i32, i32
  }
  func.func @transform_1(%arg0: i32) -> (i32, i32) {
    %c0_i32 = arith.constant 0 : i32
    %c0_i32_0 = arith.constant 0 : i32
    %c0_i32_1 = arith.constant 0 : i32
    return %c0_i32, %c0_i32_0 : i32, i32
  }
  func.func @transform_2(%arg0: i32) -> (i32, i32) {
    %c0_i32 = arith.constant 0 : i32
    %c0_i32_0 = arith.constant 0 : i32
    return %arg0, %c0_i32 : i32, i32
  }
}

module attributes {stable_mosaic.version = 14 : i64} {
  func.func @_fin_body(%arg0: i32, %arg1: memref<2x2000x64xf32, #tpu.memory_space<vmem>>, %arg2: memref<2x2000x64xf32, #tpu.memory_space<vmem>>, %arg3: memref<2000x32xf32, #tpu.memory_space<vmem>>, %arg4: memref<2000x32xf32, #tpu.memory_space<vmem>>, %arg5: memref<32x32xf32, #tpu.memory_space<vmem>>, %arg6: memref<1x32xf32, #tpu.memory_space<vmem>>, %arg7: memref<2000x32xf32, #tpu.memory_space<vmem>>, %arg8: memref<2000x32xf32, #tpu.memory_space<vmem>>, %arg9: memref<2000x32xf32, #tpu.memory_space<vmem>>) attributes {dimension_semantics = [#tpu.dimension_semantics<arbitrary>], iteration_bounds = array<i64: 5>, scalar_prefetch = 0 : i64, scratch_operands = 0 : i64, tpu.core_type = #tpu.core_type<tc>, window_params = [{transform_indices = @transform_0, window_bounds = array<i64: 2, 2000, 64>}, {transform_indices = @transform_1, window_bounds = array<i64: 2, 2000, 64>}, {transform_indices = @transform_2, window_bounds = array<i64: 2000, 32>}, {transform_indices = @transform_3, window_bounds = array<i64: 2000, 32>}, {pipeline_mode = #tpu.pipeline_mode<synchronous>, transform_indices = @transform_4, window_bounds = array<i64: 32, 32>}, {pipeline_mode = #tpu.pipeline_mode<synchronous>, transform_indices = @transform_5, window_bounds = array<i64: 1, 32>}, {transform_indices = @transform_6, window_bounds = array<i64: 2000, 32>}, {transform_indices = @transform_7, window_bounds = array<i64: 2000, 32>}, {transform_indices = @transform_8, window_bounds = array<i64: 2000, 32>}]} {
    %get3A = arith.constant 0 : index
    %get3A_0 = arith.constant 0 : index
    %get3A_1 = arith.constant 0 : index
    %get3A_2 = vector.load %arg1[%get3A, %get3A_0, %get3A_1] : memref<2x2000x64xf32, #tpu.memory_space<vmem>>, vector<1x2000x64xf32>
    %get3A_3 = vector.shape_cast %get3A_2 : vector<1x2000x64xf32> to vector<2000x64xf32>
    %get3A_4 = arith.constant 1 : index
    %get3A_5 = arith.constant 0 : index
    %get3A_6 = arith.constant 0 : index
    %get3A_7 = vector.load %arg1[%get3A_4, %get3A_5, %get3A_6] : memref<2x2000x64xf32, #tpu.memory_space<vmem>>, vector<1x2000x64xf32>
    %get3A_8 = vector.shape_cast %get3A_7 : vector<1x2000x64xf32> to vector<2000x64xf32>
    %add3A = arith.addf %get3A_3, %get3A_8 : vector<2000x64xf32>
    %get3A_9 = arith.constant 0 : index
    %get3A_10 = arith.constant 0 : index
    %get3A_11 = arith.constant 0 : index
    %get3A_12 = vector.load %arg2[%get3A_9, %get3A_10, %get3A_11] : memref<2x2000x64xf32, #tpu.memory_space<vmem>>, vector<1x2000x64xf32>
    %get3A_13 = vector.shape_cast %get3A_12 : vector<1x2000x64xf32> to vector<2000x64xf32>
    %get3A_14 = arith.constant 1 : index
    %get3A_15 = arith.constant 0 : index
    %get3A_16 = arith.constant 0 : index
    %get3A_17 = vector.load %arg2[%get3A_14, %get3A_15, %get3A_16] : memref<2x2000x64xf32, #tpu.memory_space<vmem>>, vector<1x2000x64xf32>
    %get3A_18 = vector.shape_cast %get3A_17 : vector<1x2000x64xf32> to vector<2000x64xf32>
    %add3A_19 = arith.addf %get3A_13, %get3A_18 : vector<2000x64xf32>
    %slice3A = vector.extract_strided_slice %add3A {offsets = [0, 0], sizes = [2000, 32], strides = [1, 1]} : vector<2000x64xf32> to vector<2000x32xf32>
    %slice3A_20 = vector.extract_strided_slice %add3A {offsets = [0, 32], sizes = [2000, 32], strides = [1, 1]} : vector<2000x64xf32> to vector<2000x32xf32>
    %slice3A_21 = vector.extract_strided_slice %add3A_19 {offsets = [0, 0], sizes = [2000, 32], strides = [1, 1]} : vector<2000x64xf32> to vector<2000x32xf32>
    %slice3A_22 = vector.extract_strided_slice %add3A_19 {offsets = [0, 32], sizes = [2000, 32], strides = [1, 1]} : vector<2000x64xf32> to vector<2000x32xf32>
    %get3A_23 = arith.constant 0 : index
    %get3A_24 = arith.constant 0 : index
    %get3A_25 = vector.load %arg3[%get3A_23, %get3A_24] : memref<2000x32xf32, #tpu.memory_space<vmem>>, vector<2000x32xf32>
    %exp3A = math.exp %slice3A_20 : vector<2000x32xf32>
    %mul3A = arith.mulf %get3A_25, %exp3A : vector<2000x32xf32>
    %add3A_26 = arith.addf %slice3A, %mul3A : vector<2000x32xf32>
    %swap3A = arith.constant 0 : index
    %swap3A_27 = arith.constant 0 : index
    %swap3A_28 = vector.load %arg7[%swap3A, %swap3A_27] : memref<2000x32xf32, #tpu.memory_space<vmem>>, vector<2000x32xf32>
    tpu.vector_store %arg7[%swap3A, %swap3A_27], %add3A_26 {strides = array<i32>} : memref<2000x32xf32, #tpu.memory_space<vmem>>, vector<2000x32xf32>,
    %get3A_29 = arith.constant 0 : index
    %get3A_30 = arith.constant 0 : index
    %get3A_31 = vector.load %arg4[%get3A_29, %get3A_30] : memref<2000x32xf32, #tpu.memory_space<vmem>>, vector<2000x32xf32>
    %exp3A_32 = math.exp %slice3A_22 : vector<2000x32xf32>
    %mul3A_33 = arith.mulf %get3A_31, %exp3A_32 : vector<2000x32xf32>
    %add3A_34 = arith.addf %slice3A_21, %mul3A_33 : vector<2000x32xf32>
    %swap3A_35 = arith.constant 0 : index
    %swap3A_36 = arith.constant 0 : index
    %swap3A_37 = vector.load %arg8[%swap3A_35, %swap3A_36] : memref<2000x32xf32, #tpu.memory_space<vmem>>, vector<2000x32xf32>
    tpu.vector_store %arg8[%swap3A_35, %swap3A_36], %add3A_34 {strides = array<i32>} : memref<2000x32xf32, #tpu.memory_space<vmem>>, vector<2000x32xf32>,
    %add3A_38 = arith.addf %slice3A, %slice3A_21 : vector<2000x32xf32>
    %get3A_39 = arith.constant 0 : index
    %get3A_40 = arith.constant 0 : index
    %get3A_41 = vector.load %arg5[%get3A_39, %get3A_40] : memref<32x32xf32, #tpu.memory_space<vmem>>, vector<32x32xf32>
    %dot_general3A = arith.constant dense<0.000000e+00> : vector<2000x32xf32>
    %dot_general3A_42 = tpu.matmul %add3A_38, %get3A_41, %dot_general3A {dimension_numbers = #tpu.dot_dimension_numbers<[1], [0], [0], [1], [0, 0, 1, 1], [], []>, transpose_lhs_hint = false} : vector<2000x32xf32>, vector<32x32xf32>, vector<2000x32xf32> -> vector<2000x32xf32>
    %get3A_43 = arith.constant 0 : index
    %get3A_44 = arith.constant 0 : index
    %get3A_45 = vector.load %arg6[%get3A_43, %get3A_44] : memref<1x32xf32, #tpu.memory_space<vmem>>, vector<1x32xf32>
    %add3A_46 = vector.broadcast %get3A_45 : vector<1x32xf32> to vector<2000x32xf32>
    %add3A_47 = arith.addf %dot_general3A_42, %add3A_46 : vector<2000x32xf32>
    %swap3A_48 = arith.constant 0 : index
    %swap3A_49 = arith.constant 0 : index
    %swap3A_50 = vector.load %arg9[%swap3A_48, %swap3A_49] : memref<2000x32xf32, #tpu.memory_space<vmem>>, vector<2000x32xf32>
    tpu.vector_store %arg9[%swap3A_48, %swap3A_49], %add3A_47 {strides = array<i32>} : memref<2000x32xf32, #tpu.memory_space<vmem>>, vector<2000x32xf32>,
    return
  }
  func.func @transform_0(%arg0: i32) -> (i32, i32, i32) {
    %c0_i32 = arith.constant 0 : i32
    %c0_i32_0 = arith.constant 0 : i32
    %c0_i32_1 = arith.constant 0 : i32
    return %c0_i32, %arg0, %c0_i32_0 : i32, i32, i32
  }
  func.func @transform_1(%arg0: i32) -> (i32, i32, i32) {
    %c0_i32 = arith.constant 0 : i32
    %c0_i32_0 = arith.constant 0 : i32
    %c0_i32_1 = arith.constant 0 : i32
    return %c0_i32, %arg0, %c0_i32_0 : i32, i32, i32
  }
  func.func @transform_2(%arg0: i32) -> (i32, i32) {
    %c0_i32 = arith.constant 0 : i32
    %c0_i32_0 = arith.constant 0 : i32
    return %arg0, %c0_i32 : i32, i32
  }
  func.func @transform_3(%arg0: i32) -> (i32, i32) {
    %c0_i32 = arith.constant 0 : i32
    %c0_i32_0 = arith.constant 0 : i32
    return %arg0, %c0_i32 : i32, i32
  }
  func.func @transform_4(%arg0: i32) -> (i32, i32) {
    %c0_i32 = arith.constant 0 : i32
    %c0_i32_0 = arith.constant 0 : i32
    %c0_i32_1 = arith.constant 0 : i32
    return %c0_i32, %c0_i32_0 : i32, i32
  }
  func.func @transform_5(%arg0: i32) -> (i32, i32) {
    %c0_i32 = arith.constant 0 : i32
    %c0_i32_0 = arith.constant 0 : i32
    %c0_i32_1 = arith.constant 0 : i32
    return %c0_i32, %c0_i32_0 : i32, i32
  }
  func.func @transform_6(%arg0: i32) -> (i32, i32) {
    %c0_i32 = arith.constant 0 : i32
    %c0_i32_0 = arith.constant 0 : i32
    return %arg0, %c0_i32 : i32, i32
  }
  func.func @transform_7(%arg0: i32) -> (i32, i32) {
    %c0_i32 = arith.constant 0 : i32
    %c0_i32_0 = arith.constant 0 : i32
    return %arg0, %c0_i32 : i32, i32
  }
  func.func @transform_8(%arg0: i32) -> (i32, i32) {
    %c0_i32 = arith.constant 0 : i32
    %c0_i32_0 = arith.constant 0 : i32
    return %arg0, %c0_i32 : i32, i32
  }
}

module attributes {stable_mosaic.version = 14 : i64} {
  func.func @_dec_body(%arg0: i32, %arg1: memref<400x32xf32, #tpu.memory_space<vmem>>, %arg2: memref<10000x32xf32, #tpu.memory_space<vmem>>, %arg3: memref<400x10000xf32, #tpu.memory_space<vmem>>) attributes {dimension_semantics = [#tpu.dimension_semantics<arbitrary>], iteration_bounds = array<i64: 25>, scalar_prefetch = 0 : i64, scratch_operands = 0 : i64, tpu.core_type = #tpu.core_type<tc>, window_params = [{transform_indices = @transform_0, window_bounds = array<i64: 400, 32>}, {pipeline_mode = #tpu.pipeline_mode<synchronous>, transform_indices = @transform_1, window_bounds = array<i64: 10000, 32>}, {transform_indices = @transform_2, window_bounds = array<i64: 400, 10000>}]} {
    %get3A = arith.constant 0 : index
    %get3A_0 = arith.constant 0 : index
    %get3A_1 = vector.load %arg1[%get3A, %get3A_0] : memref<400x32xf32, #tpu.memory_space<vmem>>, vector<400x32xf32>
    %get3A_2 = arith.constant 0 : index
    %get3A_3 = arith.constant 0 : index
    %get3A_4 = vector.load %arg2[%get3A_2, %get3A_3] : memref<10000x32xf32, #tpu.memory_space<vmem>>, vector<10000x32xf32>
    %dot_general3A = arith.constant dense<0.000000e+00> : vector<400x10000xf32>
    %dot_general3A_5 = tpu.matmul %get3A_1, %get3A_4, %dot_general3A {dimension_numbers = #tpu.dot_dimension_numbers<[1], [1], [0], [0], [0, 0, 1, 0], [], []>, transpose_lhs_hint = false} : vector<400x32xf32>, vector<10000x32xf32>, vector<400x10000xf32> -> vector<400x10000xf32>
    %swap3A = arith.constant 0 : index
    %swap3A_6 = arith.constant 0 : index
    %swap3A_7 = vector.load %arg3[%swap3A, %swap3A_6] : memref<400x10000xf32, #tpu.memory_space<vmem>>, vector<400x10000xf32>
    tpu.vector_store %arg3[%swap3A, %swap3A_6], %dot_general3A_5 {strides = array<i32>} : memref<400x10000xf32, #tpu.memory_space<vmem>>, vector<400x10000xf32>,
    return
  }
  func.func @transform_0(%arg0: i32) -> (i32, i32) {
    %c0_i32 = arith.constant 0 : i32
    %c0_i32_0 = arith.constant 0 : i32
    return %arg0, %c0_i32 : i32, i32
  }
  func.func @transform_1(%arg0: i32) -> (i32, i32) {
    %c0_i32 = arith.constant 0 : i32
    %c0_i32_0 = arith.constant 0 : i32
    %c0_i32_1 = arith.constant 0 : i32
    return %c0_i32, %c0_i32_0 : i32, i32
  }
  func.func @transform_2(%arg0: i32) -> (i32, i32) {
    %c0_i32 = arith.constant 0 : i32
    %c0_i32_0 = arith.constant 0 : i32
    return %arg0, %c0_i32 : i32, i32
  }
}

</mosaic_0001>

<sc_bundles>
// kernel: kernel.12.cloned.1.call-start
scs
__scs_entry_jumppad:
0x0: {  	(pc) =	sbr.rel $0x88, $3  }
0x1: {  	(tag) =	ssettag $0x0;
	lr =	simm.s32 $0x1  }
0x2: {  	[smem:$0x3F94] =	sst lr;
	_ =	strace $0xD0000000  }
0x3: {  	_ = 	snop  }
0x4: {  	_ = 	snop  }
0x5: {  	_ = 	snop  }
0x6: {  	_ = 	snop  }
0x7: {  	_ = 	snop  }
__scs_overlays_trampoline_lowered:
0x8: {  	[smem:$0x3FA3] =	sst s0  }
0x9: {  	[smem:$0x3FA4] =	sst s1  }
0xa: {  	[smem:$0x3FA5] =	sst s2  }
0xb: {  	[smem:$0x3FA6] =	sst s3  }
0xc: {  	[smem:$0x3FA7] =	sst s4  }
0xd: {  	[smem:$0x3FA8] =	sst s5  }
0xe: {  	[smem:$0x3FA9] =	sst s6  }
0xf: {  	[smem:$0x3FAA] =	sst s7  }
0x10: {  	[smem:$0x3FAB] =	sst s8  }
0x11: {  	[smem:$0x3FAC] =	sst s9;
	s0 =	simm.s32 @!p0 $0x0  }
0x12: {  	s1 =	sld [smem:$0x3F92];
	s0 =	simm.s32 @p0 $0x1  }
0x13: {  	[smem:$0x3FAD] =	sst s0;
	s0 =	simm.s32 @!p1 $0x0  }
0x14: {  	s2 =	sld [smem:$0x3F91];
	s0 =	simm.s32 @p1 $0x1  }
0x15: {  	[smem:$0x3FAE] =	sst s0;
	s0 =	simm.s32 @!p2 $0x0  }
0x16: {  	s3 =	sld [smem:$0x3FDB];
	s0 =	simm.s32 @p2 $0x1  }
0x17: {  	s4 =	simm.s32 $0x1BF5;
	[smem:$0x3FB0] =	sst s0  }
0x18: {  	s0 =	sld [smem:$0x3F93];
	_ =	swait.ge [sflag:s4], $0x0  }
0x19: {  	s7 =	sld [smem:$0x3F94]  }
0x1a: {  	s8 =	sadd.s32 $0xFFFFE003, lr  }
0x1b: {  	s9 =	sadd.s32 $0xFFFFFEF7, lr;
	s5 =	simm.s32 $0xFFFFFFFF;
	p2 =	slt.u32 s8, $0xFFFFF086  }
0x1c: {  	p1 =	slt.u32 s9, $0xF7A;
	s5 =	simm.s32 @!p2 $0x0  }
0x1d: {  	s5 =	simm.s32 @p1 $0x1;
	p0 =	seq.s32 s7, s2  }
0x1e: {  	s7 =	smul.u32 @!p0 $0xF7A, s2;
	p2 =	seq.s32 @!p0 s5, $0x0  }
0x1f: {  	s9 =	smul.u32 $0xF7A, s1;
	s8 =	simm.s32 @!p0 $0x1BF5;
	p2 =	por !p2, p0  }
0x20: {  	[sflag:s8] =	ssyncset.s32 @!p0 $0xFFFFF086;
	s6 =	sadd.s32 @!p0 s3, s7;
	s7 =	simm.s32 @!p0 $0x108  }
0x21: {  	s3 =	sadd.s32 s3, s9;
	s6 =	sadd.s32 @!p0 $0x88, s6;
	s7 =	simm.s32 @p2 $0x1082  }
0x22: {  	[simem:s7], [sflag:s8] =	dma.local @!p0 [hbm:s6], $0xF7A  }
0x23: {  	s9 =	sor.u32 $0xD0000000, s2;
	s6 =	simm.s32 $0x108;
	_ =	swait.ge @!p0 [sflag:s8], $0x0  }
0x24: {  	s3 =	sadd.s32 $0x88, s3;
	s6 =	simm.s32 @!p1 $0x1082;
	[sflag:s4] =	ssyncset.s32 $0xFFFFF086  }
0x25: {  	[simem:s6], [sflag:s4] =	dma.local [hbm:s3], $0xF7A  }
0x26: {  	[smem:$0x3F94] =	sst s1;
	(tag) =	ssettag s2;
	_ =	strace s9  }
0x27: {  	s1 =	sld [smem:$0x3FA4]  }
0x28: {  	s2 =	sld [smem:$0x3FA5]  }
0x29: {  	s4 =	sld [smem:$0x3FA7]  }
0x2a: {  	p0 =	seq.s32 s5, $0x0;
	s5 =	sld [smem:$0x3FA8]  }
0x2b: {  	s6 =	sld [smem:$0x3FA9]  }
0x2c: {  	s7 =	sld [smem:$0x3FAA]  }
0x2d: {  	s3 =	simm.s32 $0x108;
	s8 =	sld [smem:$0x3FAB]  }
0x2e: {  	s3 =	simm.s32 @!p0 $0x1082;
	s9 =	sld [smem:$0x3FAC]  }
0x2f: {  	lr =	sadd.s32 s0, s3;
	s0 =	sld [smem:$0x3FA3]  }
0x30: {  	s3 =	sld [smem:$0x3FA6]  }
0x31: {  	[smem:$0x3FAF] =	sst s10  }
0x32: {  	s10 =	sld [smem:$0x3FAD];
	_ =	sdelay $0x3  }
0x33: {  	p0 =	seq.s32 s10, $0x1;
	s10 =	sld [smem:$0x3FAF];
	_ =	sdelay $0x3  }
0x34: {  	[smem:$0x3FAF] =	sst s10  }
0x35: {  	s10 =	sld [smem:$0x3FAE];
	_ =	sdelay $0x3  }
0x36: {  	p1 =	seq.s32 s10, $0x1;
	s10 =	sld [smem:$0x3FAF];
	_ =	sdelay $0x3  }
0x37: {  	[smem:$0x3FAF] =	sst s10  }
0x38: {  	s10 =	sld [smem:$0x3FB0]  }
0x39: {  	_ = 	snop;
	(pc) =	sbr.ind lr, $3  }
0x3a: {  	_ = 	snop  }
0x3b: {  	_ = 	snop  }
0x3c: {  	p2 =	seq.s32 s10, $0x1;
	s10 =	sld [smem:$0x3FAF]  }
0x3d: {  	_ =	shalt  }
0x3e: {  	_ =	shalt  }
0x3f: {  	_ =	shalt  }
0x40: {  	_ =	shalt  }
0x41: {  	_ =	shalt  }
0x42: {  	_ =	shalt  }
0x43: {  	_ =	shalt  }
0x44: {  	_ =	shalt  }
0x45: {  	_ =	shalt  }
0x46: {  	_ =	shalt  }
0x47: {  	_ =	shalt  }
0x48: {  	_ =	shalt  }
0x49: {  	_ =	shalt  }
0x4a: {  	_ =	shalt  }
0x4b: {  	_ =	shalt  }
0x4c: {  	_ =	shalt  }
0x4d: {  	_ =	shalt  }
0x4e: {  	_ =	shalt  }
0x4f: {  	_ =	shalt  }
0x50: {  	_ =	shalt  }
0x51: {  	_ =	shalt  }
0x52: {  	_ =	shalt  }
0x53: {  	_ =	shalt  }
0x54: {  	_ =	shalt  }
0x55: {  	_ =	shalt  }
0x56: {  	_ =	shalt  }
0x57: {  	_ =	shalt  }
0x58: {  	_ =	shalt  }
0x59: {  	_ =	shalt  }
0x5a: {  	_ =	shalt  }
0x5b: {  	_ =	shalt  }
0x5c: {  	_ =	shalt  }
0x5d: {  	_ =	shalt  }
0x5e: {  	_ =	shalt  }
0x5f: {  	_ =	shalt  }
0x60: {  	_ =	shalt  }
0x61: {  	_ =	shalt  }
0x62: {  	_ =	shalt  }
0x63: {  	_ =	shalt  }
0x64: {  	_ =	shalt  }
0x65: {  	_ =	shalt  }
0x66: {  	_ =	shalt  }
0x67: {  	_ =	shalt  }
0x68: {  	_ =	shalt  }
0x69: {  	_ =	shalt  }
0x6a: {  	_ =	shalt  }
0x6b: {  	_ =	shalt  }
0x6c: {  	_ =	shalt  }
0x6d: {  	_ =	shalt  }
0x6e: {  	_ =	shalt  }
0x6f: {  	_ =	shalt  }
0x70: {  	_ =	shalt  }
0x71: {  	_ =	shalt  }
0x72: {  	_ =	shalt  }
0x73: {  	_ =	shalt  }
0x74: {  	_ =	shalt  }
0x75: {  	_ =	shalt  }
0x76: {  	_ =	shalt  }
0x77: {  	_ =	shalt  }
0x78: {  	_ =	shalt  }
0x79: {  	_ =	shalt  }
0x7a: {  	_ =	shalt  }
0x7b: {  	_ =	shalt  }
0x7c: {  	_ =	shalt  }
0x7d: {  	_ =	shalt  }
0x7e: {  	_ =	shalt  }
0x7f: {  	_ =	shalt  }
0x80: {  	_ =	shalt  }
0x81: {  	_ =	shalt  }
0x82: {  	_ =	shalt  }
0x83: {  	_ =	shalt  }
0x84: {  	_ =	shalt  }
0x85: {  	_ =	shalt  }
0x86: {  	_ =	shalt  }
0x87: {  	_ =	shalt  }
.Lfunc_end0:
.L_simem_size_0:
called_computation_lowered:
.L_overlay_start_0:
0x88: {  	s2 =	sld [smem:$0x3FD9]  }
0x89: {  	s3 =	sld [smem:$0x3FFE];
	_ =	sdelay $0x1  }
0x8a: {  	s1 =	srdreg.scid  }
0x8b: {  	s0 =	sand.u32 $0x1, s1  }
0x8c: {  	s14 =	sshll.u32 s0, $0xA;
	s2 =	sadd.s32 s3, s2  }
0x8d: {  	s2 =	sadd.s32 s2, s14  }
0x8e: {  	[smem:$0x3FBB] =	sst s2  }
0x8f: {  	_ = 	snop  }
0x90: {  	s2 =	sld [smem:$0x3FD0];
	_ =	sdelay $0x2  }
0x91: {  	s15 =	simm.s32 $0xB;
	s4 =	simm.s32 $0x10  }
0x92: {  	[smem:s4], [sflag:s15] =	dma.local [hbm:s2], $0x1  }
0x93: {  	_ =	swait.eq [sflag:s15], $0x1  }
0x94: {  	[sflag:s15] =	ssyncset.done $0x0  }
0x95: {  	[sflag:s15] =	ssyncadd.s32 $0xFFFFFFFF  }
0x96: {  	s16 =	sld [smem:$0x10];
	(tm) =	ssettm $0x1  }
0x97: {  	s17 =	sld [smem:$0x3FFB];
	_ =	sdelay $0x3  }
0x98: {  	_ =	strace s17  }
0x99: {  	s3 =	sld [smem:$0x3FFC];
	_ =	sdelay $0x3  }
0x9a: {  	_ =	strace s3  }
0x9b: {  	s3 =	sld [smem:$0x3FFD];
	_ =	sdelay $0x3  }
0x9c: {  	_ =	strace s3  }
0x9d: {  	_ =	strace $0x8FFFFFFF  }
0x9e: {  	s18 =	sld [smem:$0x3FDB];
	_ =	sdelay $0x1  }
0x9f: {  	s19 =	simm.s32 $_scs_section_size  }
0xa0: {  	s5 =	simm.s32 $_size__tile_overlayer_lowered;
	s6 =	simm.s32 $_tile_overlayer_lowered  }
0xa1: {  	s22 =	simm.s32 $0x1BFF;
	s21 =	sshll.u32 s6, $0x1;
	s3 =	sadd.s32 s19, s18  }
0xa2: {  	s7 =	simm.s32 $0x0;
	s20 =	sshll.u32 s5, $0x1;
	s5 =	sadd.s32 s21, s3  }
0xa3: {  	[timem:s7], [sflag:s22] =	dma.local [hbm:s5], s20  }
0xa4: {  	_ =	swait.ge [sflag:s22], s20  }
0xa5: {  	s4 =	ssub.s32 $0x0, s20;
	[sflag:s22] =	ssyncset.done $0x0  }
0xa6: {  	[sflag:s22] =	ssyncadd.s32 s4;
	_ =	sdelay $0x1  }
0xa7: {  	s23 =	simm.s32 $0x1B8B  }
0xa8: {  	_ =	swait.ge [sflag:s23], $0x1  }
0xa9: {  	[sflag:s23] =	ssyncset.done $0x0  }
0xaa: {  	s25 =	simm.s32 $0x1B8E;
	s24 =	sld [smem:$0x3FFE];
	[sflag:s23] =	ssyncadd.s32 $0xFFFFFFFF  }
0xab: {  	s26 =	simm.s32 $execute0_lowered;
	[smem:$0x3FD2] =	sst s25  }
0xac: {  	s5 =	sshll.u32 s26, $0x1;
	_ =	strace $0x80000046;
	[dreg:$0x1] =	wrdreg $0xFFFFFFFF  }
0xad: {  	s28 =	simm.s32 $_size_execute0_lowered;
	s3 =	sadd.s32 s3, s5;
	[dreg:$0x0] =	wrdreg $0x0  }
0xae: {  	s5 =	sshll.u32 s28, $0x1;
	[dreg:$0x2] =	wrdreg s3  }
0xaf: {  	[dreg:$0x3] =	wrdreg s5  }
0xb0: {  	[dreg:$0x4] =	wrdreg $0xC0  }
0xb1: {  	_ =	task [dreg:s7], $0x5FFFF  }
0xb2: {  	[dreg:$0x1] =	wrdreg $0xFFFFFFFF  }
0xb3: {  	[dreg:$0x0] =	wrdreg $0x60  }
0xb4: {  	[dreg:$0x2] =	wrdreg s24  }
0xb5: {  	[dreg:$0x3] =	wrdreg s16  }
0xb6: {  	[dreg:$0x4] =	wrdreg $0x90000  }
0xb7: {  	[dreg:$0x5] =	wrdreg $0x12E000  }
0xb8: {  	[dreg:$0x6] =	wrdreg $0x9  }
0xb9: {  	_ =	task.clear_ibuf [dreg:s7], $0x7FFFF;
	_ =	strace $0x90000046  }
0xba: {  	s29 =	simm.s32 $0x9;
	_ =	strace $0x80000048  }
0xbb: {  	_ =	swait.ge [sflag:s29], $0x1  }
0xbc: {  	[sflag:s29] =	ssyncadd.s32 $0xFFFFFFFF  }
0xbd: {  	_ =	strace $0x90000048  }
0xbe: {  	_ =	sfence  }
0xbf: {  	s30 =	sld [smem:$0x0];
	_ =	sdelay $0x2  }
0xc0: {  	s31 =	sshll.u32 s1, $0xD;
	s1 =	sshrl.u32 s1, $0x2  }
0xc1: {  	s3 =	sand.u32 $0x4000, s31;
	s1 =	sadd.s32 s1, s30  }
0xc2: {  	s0 =	sor.u32 s3, s0;
	s1 =	sshll.u32 s1, $0x11  }
0xc3: {  	s0 =	sor.u32 s1, s0  }
0xc4: {  	s0 =	sadd.s32 $0x8F2B, s0  }
0xc5: {  	[sflag:s0] =	ssyncadd.remote.s32 $0x1  }
0xc6: {  	_ =	sfence.sel $0xFFFF  }
0xc7: {  	[dreg:$0x0] =	wrdreg $0xFFFFFFFF;
	(pc) =	sbr.abs _section_cstart, $3  }
0xc8: {  	[dreg:$0x1] =	wrdreg $0xFFFFFFFF  }
0xc9: {  	_ =	task.clear_ibuf [dreg:s7], $0x2FFFF;
	_ =	strace $0x9FFFFFFF  }
0xca: {  	(tm) =	ssettm $0x7FFFFFFF  }
0xcb: {  	_ =	shalt  }
tec
execute0_lowered:
.L_overlay_start_1:
0x0: {  	(tag) =	ssettag $0x1  }
0x1: {  	s5 =	rddreg [dreg:$0x0]  }
0x2: {  	s9 =	rddreg [dreg:$0x1]  }
0x3: {  	s2 =	rddreg [dreg:$0x2]  }
0x4: {  	s3 =	rddreg [dreg:$0x3]  }
0x5: {  	s0 =	rddreg [dreg:$0x4];
	s4 =	simm.s32 $0x0;
	s1 =	stileid.u32  }
0x6: {  	s6 =	srdreg.scid;
	s15 =	simm.s32 $0x5000;
	s16 =	simm.s32 $0x1  }
0x7: {  	s17 =	simm.s32 $0x0;
	s7 =	smul.u32 $0x9E00, s1;
	s6 =	sand.u32 $0x1, s6  }
0x8: {  	s8 =	sshll.u32 s1, $0x1;
	[smem:$0x7FF] =	sst s4;
	s30 =	sshll.u32 s1, $0x6  }
0x9: {  	s8 =	sor.u32 s6, s8;
	s11 =	ssub.s32 $0x2, s6;
	_ =	strace $0x80000047  }
0xa: {  	s29 =	smul.u32 $0x9E000, s6;
	s6 =	sor.u32 $0x1C02, s30;
	s10 =	sshrl.u32 s7, $0x3  }
0xb: {  	s8 =	smul.u32 $0xA00, s8;
	s12 =	sshrl.u32 s11, $0x1;
	s13 =	sadd.s32 s7, s2  }
0xc: {  	s14 =	sadd.s32 s7, s3;
	s10 =	sadd.s32 s10, s5;
	s11 =	ssub.s32 s11, s12  }
0xd: {  	s12 =	sadd.s32 s7, s29;
	s8 =	sadd.s32 s8, s5;
	s5 =	sadd.s32 $0x29C00, s10  }
0xe: {  	s7 =	sadd.s32 $0x16000, s10;
	s31 =	sshrl.u32 s12, $0x3;
	s10 =	smax.u32 s11, $0x1  }
0xf: {  	s11 =	sshrl.u32 s13, $0x3;
	s12 =	simm.s32 $0x2;
	s13 =	sshrl.u32 s14, $0x3  }
0x10: {  	s14 =	simm.s32 $0x100;
	s8 =	sadd.s32 $0x2000, s8;
	s9 =	sadd.s32 s9, s31  }
.LBB2_1:
0x11: {  	[spmem:s11], [sflag:s6] =	dma.local [hbm:s5], $0x13C0  }
0x12: {  	_ =	swait.ge [sflag:s12], $0x13C0  }
0x13: {  	[sflag:s12] =	ssyncset.done $0x0  }
0x14: {  	[sflag:s12] =	ssyncadd.s32 $0xFFFFEC40  }
0x15: {  	[spmem:s13], [sflag:s6] =	dma.local [hbm:s7], $0x13C0  }
0x16: {  	_ =	swait.ge [sflag:s12], $0x13C0  }
0x17: {  	[sflag:s12] =	ssyncset.done $0x0  }
0x18: {  	[sflag:s12] =	ssyncadd.s32 $0xFFFFEC40  }
0x19: {  	[bflag:$0x0] =	sbarrier.arrive $0xFFFF  }
0x1a: {  	[tilespmem:s4], [sflag:$0x2] =	stream.linear.gather [hbm4b:s8+s4], $0x5000, $0x38;
	[tilespmem:$0x1CC00] =	vst v63  }
0x1b: {  	_ =	swait.ge [sflag:s12], $0x5000  }
0x1c: {  	[sflag:s12] =	ssyncset.done $0x0  }
0x1d: {  	s18 =	simm.s32 $0x0;
	[sflag:s12] =	ssyncadd.s32 $0xFFFFB000  }
0x1e: {  	[tilespmem:s15], [sflag:$0x1] =	stream.indirect.gather [spmem:s3], $0x40, s18, s14, $0xb8;
	[tilespmem:$0x1CC00] =	vst v63  }
0x1f: {  	_ =	swait.ge [sflag:s16], $0x4000  }
0x20: {  	[sflag:s16] =	ssyncset.done $0x0  }
0x21: {  	s31 =	simm.s32 $0x100;
	[sflag:s16] =	ssyncadd.s32 $0xFFFFC000  }
0x22: {  	[spmem:s2] =	stream.indirect.scatter.add.f32 [tilespmem:s15], [sflag:$0x2], $0x40, s31, s14, $0xb8;
	[tilespmem:$0x1CC00] =	vst v63  }
0x23: {  	_ =	swait.ge [sflag:s12], $0x4000  }
0x24: {  	s19 =	simm.s32 $0x1000;
	s18 =	simm.s32 $0x800;
	[sflag:s12] =	ssyncset.done $0x0  }
.LBB2_2:
0x25: {  	s20 =	sshra.s32 s18, $0x2  }
0x26: {  	[sflag:s12] =	ssyncadd.s32 $0xFFFFC000;
	s18 =	smov.u32 s19;
	s21 =	sadd.s32 $0x800, s19  }
0x27: {  	[tilespmem:s15], [sflag:$0x1] =	stream.indirect.gather [spmem:s3], $0x40, s20, s14, $0xb8;
	[tilespmem:$0x1CC00] =	vst v63  }
0x28: {  	p0 =	sne.s32 s19, $0x13800;
	_ =	swait.ge [sflag:s16], $0x4000  }
.Ltmp0:
0x29: {  	[sflag:s16] =	ssyncset.done $0x0;
	(pc) =	sbr.rel @p0 .LBB2_2-.Ltmp0, $4  }
0x2a: {  	s19 =	sadd.s32 $0x100, s20;
	[sflag:s16] =	ssyncadd.s32 $0xFFFFC000  }
0x2b: {  	[spmem:s2] =	stream.indirect.scatter.add.f32 [tilespmem:s15], [sflag:$0x2], $0x40, s19, s14, $0xb8;
	[tilespmem:$0x1CC00] =	vst v63  }
0x2c: {  	_ =	swait.ge [sflag:s12], $0x4000  }
0x2d: {  	s19 =	smov.u32 s21;
	[sflag:s12] =	ssyncset.done $0x0  }
0x2e: {  	s18 =	sshra.s32 s18, $0x2;
	[sflag:s12] =	ssyncadd.s32 $0xFFFFC000  }
0x2f: {  	[tilespmem:s15], [sflag:$0x1] =	stream.indirect.gather [spmem:s3], $0x40, s18, s14, $0xb8;
	[tilespmem:$0x1CC00] =	vst v63  }
0x30: {  	_ =	swait.ge [sflag:s16], $0x4000  }
0x31: {  	[sflag:s16] =	ssyncset.done $0x0  }
0x32: {  	s18 =	sadd.s32 $0x100, s18;
	[sflag:s16] =	ssyncadd.s32 $0xFFFFC000  }
0x33: {  	[spmem:s2] =	stream.indirect.scatter.add.f32 [tilespmem:s15], [sflag:$0x2], $0x40, s18, s14, $0xb8;
	[tilespmem:$0x1CC00] =	vst v63  }
0x34: {  	_ =	swait.ge [sflag:s12], $0x4000  }
0x35: {  	s17 =	sadd.s32 $0x1, s17;
	[sflag:s12] =	ssyncset.done $0x0  }
0x36: {  	p0 =	sne.s32 s17, s10;
	[sflag:s12] =	ssyncadd.s32 $0xFFFFC000  }
.Ltmp1:
0x37: {  	[bflag:$0x0] =	sbarrier.arrive $0xFFFF;
	(pc) =	sbr.rel @p0 .LBB2_1-.Ltmp1, $4  }
0x38: {  	[hbm:s9], [sflag:s6] =	dma.local [spmem:s11], $0x13C0  }
0x39: {  	_ =	swait.ge [sflag:s12], $0x13C0  }
0x3a: {  	[sflag:s12] =	ssyncset.done $0x0  }
0x3b: {  	[sflag:s12] =	ssyncadd.s32 $0xFFFFEC40  }
0x3c: {  	_ =	sfence.sel $0x180000  }
0x3d: {  	[bflag:$0x0] =	sbarrier.arrive $0xFFFF  }
0x3e: {  	p0 =	sne.s32 s1, $0x0;
	_ =	strace $0x90000047  }
0x3f: {  	s0 =	sadd.s32 @!p0 $0x100000, s0;
	[bflag:$0x2] =	sbarrier.arrive $0xFFFF  }
0x40: {  	[sflag:s0] =	ssyncadd.tile.s32 @!p0 $0x1;
	_ =	shalt  }
.Lfunc_end2:
_tile_overlayer_lowered:
.L_overlay_start_2:
0x41: {  	(tag) =	ssettag $0x2  }
0x42: {  	s0 =	rddreg [dreg:$0x0];
	s2 =	stileid.u32  }
0x43: {  	s1 =	rddreg [dreg:$0x1];
	p0 =	sne.s32 s2, $0x0  }
0x44: {  	s3 =	rddreg [dreg:$0x2];
	[bflag:$0x3] =	sbarrier.arrive $0xFFFF;
	s2 =	simm.s32 @!p0 $0x1C02  }
0x45: {  	[timem:s3], [sflag:s2] =	dma.local @!p0 [hbm:s0], s1  }
0x46: {  	s0 =	simm.s32 @!p0 $0x2  }
0x47: {  	_ =	swait.ge @!p0 [sflag:s0], s1  }
0x48: {  	s1 =	ssub.s32 @!p0 $0x0, s1;
	[sflag:s0] =	ssyncset.done @!p0 $0x0  }
0x49: {  	[sflag:s0] =	ssyncadd.s32 @!p0 s1  }
0x4a: {  	[bflag:$0x3] =	sbarrier.arrive $0xFFFF  }
0x4b: {  	_ =	shalt  }

// kernel: kernel.15.cloned.1.call-start
scs
__scs_entry_jumppad:
0x0: {  	(pc) =	sbr.rel $0x88, $3  }
0x1: {  	(tag) =	ssettag $0x0;
	lr =	simm.s32 $0x1  }
0x2: {  	[smem:$0x3F94] =	sst lr;
	_ =	strace $0xD0000000  }
0x3: {  	_ = 	snop  }
0x4: {  	_ = 	snop  }
0x5: {  	_ = 	snop  }
0x6: {  	_ = 	snop  }
0x7: {  	_ = 	snop  }
__scs_overlays_trampoline_lowered:
0x8: {  	[smem:$0x3FA3] =	sst s0  }
0x9: {  	[smem:$0x3FA4] =	sst s1  }
0xa: {  	[smem:$0x3FA5] =	sst s2  }
0xb: {  	[smem:$0x3FA6] =	sst s3  }
0xc: {  	[smem:$0x3FA7] =	sst s4  }
0xd: {  	[smem:$0x3FA8] =	sst s5  }
0xe: {  	[smem:$0x3FA9] =	sst s6  }
0xf: {  	[smem:$0x3FAA] =	sst s7  }
0x10: {  	[smem:$0x3FAB] =	sst s8  }
0x11: {  	[smem:$0x3FAC] =	sst s9;
	s0 =	simm.s32 @!p0 $0x0  }
0x12: {  	s1 =	sld [smem:$0x3F92];
	s0 =	simm.s32 @p0 $0x1  }
0x13: {  	[smem:$0x3FAD] =	sst s0;
	s0 =	simm.s32 @!p1 $0x0  }
0x14: {  	s2 =	sld [smem:$0x3F91];
	s0 =	simm.s32 @p1 $0x1  }
0x15: {  	[smem:$0x3FAE] =	sst s0;
	s0 =	simm.s32 @!p2 $0x0  }
0x16: {  	s3 =	sld [smem:$0x3FDB];
	s0 =	simm.s32 @p2 $0x1  }
0x17: {  	s4 =	simm.s32 $0x1BF5;
	[smem:$0x3FB0] =	sst s0  }
0x18: {  	s0 =	sld [smem:$0x3F93];
	_ =	swait.ge [sflag:s4], $0x0  }
0x19: {  	s7 =	sld [smem:$0x3F94]  }
0x1a: {  	s8 =	sadd.s32 $0xFFFFE003, lr  }
0x1b: {  	s9 =	sadd.s32 $0xFFFFFEF7, lr;
	s5 =	simm.s32 $0xFFFFFFFF;
	p2 =	slt.u32 s8, $0xFFFFF086  }
0x1c: {  	p1 =	slt.u32 s9, $0xF7A;
	s5 =	simm.s32 @!p2 $0x0  }
0x1d: {  	s5 =	simm.s32 @p1 $0x1;
	p0 =	seq.s32 s7, s2  }
0x1e: {  	s7 =	smul.u32 @!p0 $0xF7A, s2;
	p2 =	seq.s32 @!p0 s5, $0x0  }
0x1f: {  	s9 =	smul.u32 $0xF7A, s1;
	s8 =	simm.s32 @!p0 $0x1BF5;
	p2 =	por !p2, p0  }
0x20: {  	[sflag:s8] =	ssyncset.s32 @!p0 $0xFFFFF086;
	s6 =	sadd.s32 @!p0 s3, s7;
	s7 =	simm.s32 @!p0 $0x108  }
0x21: {  	s3 =	sadd.s32 s3, s9;
	s6 =	sadd.s32 @!p0 $0x88, s6;
	s7 =	simm.s32 @p2 $0x1082  }
0x22: {  	[simem:s7], [sflag:s8] =	dma.local @!p0 [hbm:s6], $0xF7A  }
0x23: {  	s9 =	sor.u32 $0xD0000000, s2;
	s6 =	simm.s32 $0x108;
	_ =	swait.ge @!p0 [sflag:s8], $0x0  }
0x24: {  	s3 =	sadd.s32 $0x88, s3;
	s6 =	simm.s32 @!p1 $0x1082;
	[sflag:s4] =	ssyncset.s32 $0xFFFFF086  }
0x25: {  	[simem:s6], [sflag:s4] =	dma.local [hbm:s3], $0xF7A  }
0x26: {  	[smem:$0x3F94] =	sst s1;
	(tag) =	ssettag s2;
	_ =	strace s9  }
0x27: {  	s1 =	sld [smem:$0x3FA4]  }
0x28: {  	s2 =	sld [smem:$0x3FA5]  }
0x29: {  	s4 =	sld [smem:$0x3FA7]  }
0x2a: {  	p0 =	seq.s32 s5, $0x0;
	s5 =	sld [smem:$0x3FA8]  }
0x2b: {  	s6 =	sld [smem:$0x3FA9]  }
0x2c: {  	s7 =	sld [smem:$0x3FAA]  }
0x2d: {  	s3 =	simm.s32 $0x108;
	s8 =	sld [smem:$0x3FAB]  }
0x2e: {  	s3 =	simm.s32 @!p0 $0x1082;
	s9 =	sld [smem:$0x3FAC]  }
0x2f: {  	lr =	sadd.s32 s0, s3;
	s0 =	sld [smem:$0x3FA3]  }
0x30: {  	s3 =	sld [smem:$0x3FA6]  }
0x31: {  	[smem:$0x3FAF] =	sst s10  }
0x32: {  	s10 =	sld [smem:$0x3FAD];
	_ =	sdelay $0x3  }
0x33: {  	p0 =	seq.s32 s10, $0x1;
	s10 =	sld [smem:$0x3FAF];
	_ =	sdelay $0x3  }
0x34: {  	[smem:$0x3FAF] =	sst s10  }
0x35: {  	s10 =	sld [smem:$0x3FAE];
	_ =	sdelay $0x3  }
0x36: {  	p1 =	seq.s32 s10, $0x1;
	s10 =	sld [smem:$0x3FAF];
	_ =	sdelay $0x3  }
0x37: {  	[smem:$0x3FAF] =	sst s10  }
0x38: {  	s10 =	sld [smem:$0x3FB0]  }
0x39: {  	_ = 	snop;
	(pc) =	sbr.ind lr, $3  }
0x3a: {  	_ = 	snop  }
0x3b: {  	_ = 	snop  }
0x3c: {  	p2 =	seq.s32 s10, $0x1;
	s10 =	sld [smem:$0x3FAF]  }
0x3d: {  	_ =	shalt  }
0x3e: {  	_ =	shalt  }
0x3f: {  	_ =	shalt  }
0x40: {  	_ =	shalt  }
0x41: {  	_ =	shalt  }
0x42: {  	_ =	shalt  }
0x43: {  	_ =	shalt  }
0x44: {  	_ =	shalt  }
0x45: {  	_ =	shalt  }
0x46: {  	_ =	shalt  }
0x47: {  	_ =	shalt  }
0x48: {  	_ =	shalt  }
0x49: {  	_ =	shalt  }
0x4a: {  	_ =	shalt  }
0x4b: {  	_ =	shalt  }
0x4c: {  	_ =	shalt  }
0x4d: {  	_ =	shalt  }
0x4e: {  	_ =	shalt  }
0x4f: {  	_ =	shalt  }
0x50: {  	_ =	shalt  }
0x51: {  	_ =	shalt  }
0x52: {  	_ =	shalt  }
0x53: {  	_ =	shalt  }
0x54: {  	_ =	shalt  }
0x55: {  	_ =	shalt  }
0x56: {  	_ =	shalt  }
0x57: {  	_ =	shalt  }
0x58: {  	_ =	shalt  }
0x59: {  	_ =	shalt  }
0x5a: {  	_ =	shalt  }
0x5b: {  	_ =	shalt  }
0x5c: {  	_ =	shalt  }
0x5d: {  	_ =	shalt  }
0x5e: {  	_ =	shalt  }
0x5f: {  	_ =	shalt  }
0x60: {  	_ =	shalt  }
0x61: {  	_ =	shalt  }
0x62: {  	_ =	shalt  }
0x63: {  	_ =	shalt  }
0x64: {  	_ =	shalt  }
0x65: {  	_ =	shalt  }
0x66: {  	_ =	shalt  }
0x67: {  	_ =	shalt  }
0x68: {  	_ =	shalt  }
0x69: {  	_ =	shalt  }
0x6a: {  	_ =	shalt  }
0x6b: {  	_ =	shalt  }
0x6c: {  	_ =	shalt  }
0x6d: {  	_ =	shalt  }
0x6e: {  	_ =	shalt  }
0x6f: {  	_ =	shalt  }
0x70: {  	_ =	shalt  }
0x71: {  	_ =	shalt  }
0x72: {  	_ =	shalt  }
0x73: {  	_ =	shalt  }
0x74: {  	_ =	shalt  }
0x75: {  	_ =	shalt  }
0x76: {  	_ =	shalt  }
0x77: {  	_ =	shalt  }
0x78: {  	_ =	shalt  }
0x79: {  	_ =	shalt  }
0x7a: {  	_ =	shalt  }
0x7b: {  	_ =	shalt  }
0x7c: {  	_ =	shalt  }
0x7d: {  	_ =	shalt  }
0x7e: {  	_ =	shalt  }
0x7f: {  	_ =	shalt  }
0x80: {  	_ =	shalt  }
0x81: {  	_ =	shalt  }
0x82: {  	_ =	shalt  }
0x83: {  	_ =	shalt  }
0x84: {  	_ =	shalt  }
0x85: {  	_ =	shalt  }
0x86: {  	_ =	shalt  }
0x87: {  	_ =	shalt  }
.Lfunc_end0:
.L_simem_size_0:
called_computation.1_lowered:
.L_overlay_start_0:
0x88: {  	s2 =	sld [smem:$0x3FD9]  }
0x89: {  	s3 =	sld [smem:$0x3FFE];
	_ =	sdelay $0x1  }
0x8a: {  	s1 =	srdreg.scid  }
0x8b: {  	s0 =	sand.u32 $0x1, s1  }
0x8c: {  	s15 =	sshll.u32 s0, $0xA;
	s2 =	sadd.s32 s3, s2  }
0x8d: {  	s2 =	sadd.s32 s2, s15  }
0x8e: {  	[smem:$0x3FBB] =	sst s2  }
0x8f: {  	_ = 	snop  }
0x90: {  	s2 =	sld [smem:$0x3FD0];
	_ =	sdelay $0x2  }
0x91: {  	s16 =	simm.s32 $0xB;
	s4 =	simm.s32 $0x10  }
0x92: {  	[smem:s4], [sflag:s16] =	dma.local [hbm:s2], $0x1  }
0x93: {  	_ =	swait.eq [sflag:s16], $0x1  }
0x94: {  	[sflag:s16] =	ssyncset.done $0x0  }
0x95: {  	[sflag:s16] =	ssyncadd.s32 $0xFFFFFFFF  }
0x96: {  	s17 =	sld [smem:$0x10];
	(tm) =	ssettm $0x1  }
0x97: {  	s18 =	sld [smem:$0x3FFB];
	_ =	sdelay $0x3  }
0x98: {  	_ =	strace s18  }
0x99: {  	s2 =	sld [smem:$0x3FFC];
	_ =	sdelay $0x3  }
0x9a: {  	_ =	strace s2  }
0x9b: {  	s2 =	sld [smem:$0x3FFD];
	_ =	sdelay $0x3  }
0x9c: {  	_ =	strace s2  }
0x9d: {  	_ =	strace $0x8FFFFFFF  }
0x9e: {  	s19 =	sld [smem:$0x3FDB];
	_ =	sdelay $0x1  }
0x9f: {  	s20 =	simm.s32 $_scs_section_size  }
0xa0: {  	s5 =	simm.s32 $_size__tile_overlayer_lowered;
	s6 =	simm.s32 $_tile_overlayer_lowered  }
0xa1: {  	s7 =	simm.s32 $0x1BFF;
	s21 =	sshll.u32 s6, $0x1;
	s4 =	sadd.s32 s20, s19  }
0xa2: {  	s22 =	simm.s32 $0x0;
	s5 =	sshll.u32 s5, $0x1;
	s6 =	sadd.s32 s21, s4  }
0xa3: {  	[timem:s22], [sflag:s7] =	dma.local [hbm:s6], s5  }
0xa4: {  	_ =	swait.ge [sflag:s7], s5  }
0xa5: {  	s5 =	ssub.s32 $0x0, s5;
	[sflag:s7] =	ssyncset.done $0x0  }
0xa6: {  	[sflag:s7] =	ssyncadd.s32 s5;
	_ =	sdelay $0x1  }
0xa7: {  	s23 =	simm.s32 $0x1B8B  }
0xa8: {  	_ =	swait.ge [sflag:s23], $0x1  }
0xa9: {  	[sflag:s23] =	ssyncset.done $0x0  }
0xaa: {  	[sflag:s23] =	ssyncadd.s32 $0xFFFFFFFF  }
0xab: {  	s5 =	sld [smem:$0x0]  }
0xac: {  	s6 =	sand.u32 $0xFFFFFFFE, s1  }
0xad: {  	p0 =	sne.s32 s1, s6  }
0xae: {  	s6 =	sshll.u32 @p0 s6, $0xE  }
0xaf: {  	s6 =	sadd.s32 @p0 $0x11B8D, s6;
	s7 =	sshll.u32 @p0 s5, $0x11  }
0xb0: {  	s6 =	sor.u32 @p0 s7, s6  }
0xb1: {  	[sflag:s6] =	ssyncadd.remote.s32 @p0 $0x1;
	_ =	sdelay $0x1  }
0xb2: {  	s6 =	simm.s32 @p0 $0x1B8D  }
0xb3: {  	_ =	swait.eq @p0 [sflag:s6], $0x1  }
0xb4: {  	[sflag:s6] =	ssyncadd.s32 @p0 $0xFFFFFFFF  }
0xb5: {  	s7 =	sshll.u32 @!p0 s1, $0xE  }
0xb6: {  	s7 =	sor.u32 @!p0 $0x4000, s7;
	s6 =	simm.s32 @!p0 $0x1B8D  }
0xb7: {  	s5 =	sshll.u32 @!p0 s5, $0x11;
	s7 =	sadd.s32 @!p0 $0x11B8D, s7;
	_ =	swait.eq @!p0 [sflag:s6], $0x1  }
0xb8: {  	s5 =	sor.u32 @!p0 s5, s7;
	[sflag:s6] =	ssyncadd.s32 @!p0 $0xFFFFFFFF  }
0xb9: {  	s25 =	simm.s32 $0x1B8E;
	s24 =	sld [smem:$0x3FFE];
	[sflag:s5] =	ssyncadd.remote.s32 @!p0 $0x1  }
0xba: {  	s26 =	simm.s32 $execute0_lowered;
	[smem:$0x3FD2] =	sst s25  }
0xbb: {  	s6 =	sshll.u32 s26, $0x1;
	_ =	strace $0x8000004C;
	[dreg:$0x1] =	wrdreg $0xFFFFFFFF  }
0xbc: {  	s28 =	simm.s32 $_size_execute0_lowered;
	s4 =	sadd.s32 s4, s6;
	[dreg:$0x0] =	wrdreg $0x0  }
0xbd: {  	s6 =	sshll.u32 s28, $0x1;
	[dreg:$0x2] =	wrdreg s4  }
0xbe: {  	[dreg:$0x3] =	wrdreg s6  }
0xbf: {  	[dreg:$0x4] =	wrdreg $0xC0  }
0xc0: {  	_ =	task [dreg:s22], $0x5FFFF  }
0xc1: {  	[dreg:$0x1] =	wrdreg $0xFFFFFFFF  }
0xc2: {  	[dreg:$0x0] =	wrdreg $0x60  }
0xc3: {  	[dreg:$0x2] =	wrdreg s24  }
0xc4: {  	[dreg:$0x3] =	wrdreg s17  }
0xc5: {  	[dreg:$0x4] =	wrdreg $0x90000  }
0xc6: {  	[dreg:$0x5] =	wrdreg $0x12E000  }
0xc7: {  	[dreg:$0x6] =	wrdreg $0x9  }
0xc8: {  	_ =	task.clear_ibuf [dreg:s22], $0x7FFFF;
	_ =	strace $0x9000004C  }
0xc9: {  	s29 =	simm.s32 $0x9;
	_ =	strace $0x8000004E  }
0xca: {  	_ =	swait.ge [sflag:s29], $0x1  }
0xcb: {  	[sflag:s29] =	ssyncadd.s32 $0xFFFFFFFF  }
0xcc: {  	_ =	strace $0x9000004E  }
0xcd: {  	_ =	sfence  }
0xce: {  	s30 =	sld [smem:$0x0];
	_ =	sdelay $0x2  }
0xcf: {  	s31 =	sshll.u32 s1, $0xD;
	s1 =	sshrl.u32 s1, $0x2  }
0xd0: {  	s4 =	sand.u32 $0x4000, s31;
	s1 =	sadd.s32 s1, s30  }
0xd1: {  	s0 =	sor.u32 s4, s0;
	s1 =	sshll.u32 s1, $0x11  }
0xd2: {  	s0 =	sor.u32 s1, s0  }
0xd3: {  	s0 =	sadd.s32 $0x8F2B, s0  }
0xd4: {  	[sflag:s0] =	ssyncadd.remote.s32 $0x1  }
0xd5: {  	_ =	sfence.sel $0xFFFF  }
0xd6: {  	[dreg:$0x0] =	wrdreg $0xFFFFFFFF;
	(pc) =	sbr.abs _section_cstart, $3  }
0xd7: {  	[dreg:$0x1] =	wrdreg $0xFFFFFFFF  }
0xd8: {  	_ =	task.clear_ibuf [dreg:s22], $0x2FFFF;
	_ =	strace $0x9FFFFFFF  }
0xd9: {  	(tm) =	ssettm $0x7FFFFFFF  }
tec
execute0_lowered:
.L_overlay_start_1:
0x0: {  	(tag) =	ssettag $0x1  }
0x1: {  	s5 =	rddreg [dreg:$0x0]  }
0x2: {  	s9 =	rddreg [dreg:$0x1]  }
0x3: {  	s2 =	rddreg [dreg:$0x2]  }
0x4: {  	s3 =	rddreg [dreg:$0x3]  }
0x5: {  	s0 =	rddreg [dreg:$0x4];
	s4 =	simm.s32 $0x0;
	s1 =	stileid.u32  }
0x6: {  	s6 =	srdreg.scid;
	s15 =	simm.s32 $0x5000;
	s16 =	simm.s32 $0x1  }
0x7: {  	s17 =	simm.s32 $0x0;
	s7 =	smul.u32 $0x9E00, s1;
	s6 =	sand.u32 $0x1, s6  }
0x8: {  	s8 =	sshll.u32 s1, $0x1;
	[smem:$0x7FF] =	sst s4;
	s30 =	sshll.u32 s1, $0x6  }
0x9: {  	s8 =	sor.u32 s6, s8;
	s11 =	ssub.s32 $0x2, s6;
	_ =	strace $0x8000004D  }
0xa: {  	s29 =	smul.u32 $0x9E000, s6;
	s6 =	sor.u32 $0x1C02, s30;
	s10 =	sshrl.u32 s7, $0x3  }
0xb: {  	s8 =	smul.u32 $0xA00, s8;
	s12 =	sshrl.u32 s11, $0x1;
	s13 =	sadd.s32 s7, s2  }
0xc: {  	s14 =	sadd.s32 s7, s3;
	s10 =	sadd.s32 s10, s5;
	s11 =	ssub.s32 s11, s12  }
0xd: {  	s12 =	sadd.s32 s7, s29;
	s8 =	sadd.s32 s8, s5;
	s5 =	sadd.s32 $0x29C00, s10  }
0xe: {  	s7 =	sadd.s32 $0x16000, s10;
	s31 =	sshrl.u32 s12, $0x3;
	s10 =	smax.u32 s11, $0x1  }
0xf: {  	s11 =	sshrl.u32 s13, $0x3;
	s12 =	simm.s32 $0x2;
	s13 =	sshrl.u32 s14, $0x3  }
0x10: {  	s14 =	simm.s32 $0x100;
	s8 =	sadd.s32 $0x2000, s8;
	s9 =	sadd.s32 s9, s31  }
.LBB2_1:
0x11: {  	[spmem:s11], [sflag:s6] =	dma.local [hbm:s5], $0x13C0  }
0x12: {  	_ =	swait.ge [sflag:s12], $0x13C0  }
0x13: {  	[sflag:s12] =	ssyncset.done $0x0  }
0x14: {  	[sflag:s12] =	ssyncadd.s32 $0xFFFFEC40  }
0x15: {  	[spmem:s13], [sflag:s6] =	dma.local [hbm:s7], $0x13C0  }
0x16: {  	_ =	swait.ge [sflag:s12], $0x13C0  }
0x17: {  	[sflag:s12] =	ssyncset.done $0x0  }
0x18: {  	[sflag:s12] =	ssyncadd.s32 $0xFFFFEC40  }
0x19: {  	[bflag:$0x0] =	sbarrier.arrive $0xFFFF  }
0x1a: {  	[tilespmem:s4], [sflag:$0x2] =	stream.linear.gather [hbm4b:s8+s4], $0x5000, $0x38;
	[tilespmem:$0x1CC00] =	vst v63  }
0x1b: {  	_ =	swait.ge [sflag:s12], $0x5000  }
0x1c: {  	[sflag:s12] =	ssyncset.done $0x0  }
0x1d: {  	s18 =	simm.s32 $0x0;
	[sflag:s12] =	ssyncadd.s32 $0xFFFFB000  }
0x1e: {  	[tilespmem:s15], [sflag:$0x1] =	stream.indirect.gather [spmem:s3], $0x40, s18, s14, $0xb8;
	[tilespmem:$0x1CC00] =	vst v63  }
0x1f: {  	_ =	swait.ge [sflag:s16], $0x4000  }
0x20: {  	[sflag:s16] =	ssyncset.done $0x0  }
0x21: {  	s31 =	simm.s32 $0x100;
	[sflag:s16] =	ssyncadd.s32 $0xFFFFC000  }
0x22: {  	[spmem:s2] =	stream.indirect.scatter.add.f32 [tilespmem:s15], [sflag:$0x2], $0x40, s31, s14, $0xb8;
	[tilespmem:$0x1CC00] =	vst v63  }
0x23: {  	_ =	swait.ge [sflag:s12], $0x4000  }
0x24: {  	s19 =	simm.s32 $0x1000;
	s18 =	simm.s32 $0x800;
	[sflag:s12] =	ssyncset.done $0x0  }
.LBB2_2:
0x25: {  	s20 =	sshra.s32 s18, $0x2  }
0x26: {  	[sflag:s12] =	ssyncadd.s32 $0xFFFFC000;
	s18 =	smov.u32 s19;
	s21 =	sadd.s32 $0x800, s19  }
0x27: {  	[tilespmem:s15], [sflag:$0x1] =	stream.indirect.gather [spmem:s3], $0x40, s20, s14, $0xb8;
	[tilespmem:$0x1CC00] =	vst v63  }
0x28: {  	p0 =	sne.s32 s19, $0x13800;
	_ =	swait.ge [sflag:s16], $0x4000  }
.Ltmp0:
0x29: {  	[sflag:s16] =	ssyncset.done $0x0;
	(pc) =	sbr.rel @p0 .LBB2_2-.Ltmp0, $4  }
0x2a: {  	s19 =	sadd.s32 $0x100, s20;
	[sflag:s16] =	ssyncadd.s32 $0xFFFFC000  }
0x2b: {  	[spmem:s2] =	stream.indirect.scatter.add.f32 [tilespmem:s15], [sflag:$0x2], $0x40, s19, s14, $0xb8;
	[tilespmem:$0x1CC00] =	vst v63  }
0x2c: {  	_ =	swait.ge [sflag:s12], $0x4000  }
0x2d: {  	s19 =	smov.u32 s21;
	[sflag:s12] =	ssyncset.done $0x0  }
0x2e: {  	s18 =	sshra.s32 s18, $0x2;
	[sflag:s12] =	ssyncadd.s32 $0xFFFFC000  }
0x2f: {  	[tilespmem:s15], [sflag:$0x1] =	stream.indirect.gather [spmem:s3], $0x40, s18, s14, $0xb8;
	[tilespmem:$0x1CC00] =	vst v63  }
0x30: {  	_ =	swait.ge [sflag:s16], $0x4000  }
0x31: {  	[sflag:s16] =	ssyncset.done $0x0  }
0x32: {  	s18 =	sadd.s32 $0x100, s18;
	[sflag:s16] =	ssyncadd.s32 $0xFFFFC000  }
0x33: {  	[spmem:s2] =	stream.indirect.scatter.add.f32 [tilespmem:s15], [sflag:$0x2], $0x40, s18, s14, $0xb8;
	[tilespmem:$0x1CC00] =	vst v63  }
0x34: {  	_ =	swait.ge [sflag:s12], $0x4000  }
0x35: {  	s17 =	sadd.s32 $0x1, s17;
	[sflag:s12] =	ssyncset.done $0x0  }
0x36: {  	p0 =	sne.s32 s17, s10;
	[sflag:s12] =	ssyncadd.s32 $0xFFFFC000  }
.Ltmp1:
0x37: {  	[bflag:$0x0] =	sbarrier.arrive $0xFFFF;
	(pc) =	sbr.rel @p0 .LBB2_1-.Ltmp1, $4  }
0x38: {  	[hbm:s9], [sflag:s6] =	dma.local [spmem:s11], $0x13C0  }
0x39: {  	_ =	swait.ge [sflag:s12], $0x13C0  }
0x3a: {  	[sflag:s12] =	ssyncset.done $0x0  }
0x3b: {  	[sflag:s12] =	ssyncadd.s32 $0xFFFFEC40  }
0x3c: {  	_ =	sfence.sel $0x180000  }
0x3d: {  	[bflag:$0x0] =	sbarrier.arrive $0xFFFF  }
0x3e: {  	p0 =	sne.s32 s1, $0x0;
	_ =	strace $0x9000004D  }
0x3f: {  	s0 =	sadd.s32 @!p0 $0x100000, s0;
	[bflag:$0x2] =	sbarrier.arrive $0xFFFF  }
0x40: {  	[sflag:s0] =	ssyncadd.tile.s32 @!p0 $0x1;
	_ =	shalt  }
.Lfunc_end2:
_tile_overlayer_lowered:
.L_overlay_start_2:
0x41: {  	(tag) =	ssettag $0x2  }
0x42: {  	s0 =	rddreg [dreg:$0x0];
	s2 =	stileid.u32  }
0x43: {  	s1 =	rddreg [dreg:$0x1];
	p0 =	sne.s32 s2, $0x0  }
0x44: {  	s3 =	rddreg [dreg:$0x2];
	[bflag:$0x3] =	sbarrier.arrive $0xFFFF;
	s2 =	simm.s32 @!p0 $0x1C02  }
0x45: {  	[timem:s3], [sflag:s2] =	dma.local @!p0 [hbm:s0], s1  }
0x46: {  	s0 =	simm.s32 @!p0 $0x2  }
0x47: {  	_ =	swait.ge @!p0 [sflag:s0], s1  }
0x48: {  	s1 =	ssub.s32 @!p0 $0x0, s1;
	[sflag:s0] =	ssyncset.done @!p0 $0x0  }
0x49: {  	[sflag:s0] =	ssyncadd.s32 @!p0 s1  }
0x4a: {  	[bflag:$0x3] =	sbarrier.arrive $0xFFFF  }
0x4b: {  	_ =	shalt  }

// kernel: kernel.18.cloned.1.call-start
scs
__scs_entry_jumppad:
0x0: {  	(pc) =	sbr.rel $0x88, $3  }
0x1: {  	(tag) =	ssettag $0x0;
	lr =	simm.s32 $0x1  }
0x2: {  	[smem:$0x3F94] =	sst lr;
	_ =	strace $0xD0000000  }
0x3: {  	_ = 	snop  }
0x4: {  	_ = 	snop  }
0x5: {  	_ = 	snop  }
0x6: {  	_ = 	snop  }
0x7: {  	_ = 	snop  }
__scs_overlays_trampoline_lowered:
0x8: {  	[smem:$0x3FA3] =	sst s0  }
0x9: {  	[smem:$0x3FA4] =	sst s1  }
0xa: {  	[smem:$0x3FA5] =	sst s2  }
0xb: {  	[smem:$0x3FA6] =	sst s3  }
0xc: {  	[smem:$0x3FA7] =	sst s4  }
0xd: {  	[smem:$0x3FA8] =	sst s5  }
0xe: {  	[smem:$0x3FA9] =	sst s6  }
0xf: {  	[smem:$0x3FAA] =	sst s7  }
0x10: {  	[smem:$0x3FAB] =	sst s8  }
0x11: {  	[smem:$0x3FAC] =	sst s9;
	s0 =	simm.s32 @!p0 $0x0  }
0x12: {  	s1 =	sld [smem:$0x3F92];
	s0 =	simm.s32 @p0 $0x1  }
0x13: {  	[smem:$0x3FAD] =	sst s0;
	s0 =	simm.s32 @!p1 $0x0  }
0x14: {  	s2 =	sld [smem:$0x3F91];
	s0 =	simm.s32 @p1 $0x1  }
0x15: {  	[smem:$0x3FAE] =	sst s0;
	s0 =	simm.s32 @!p2 $0x0  }
0x16: {  	s3 =	sld [smem:$0x3FDB];
	s0 =	simm.s32 @p2 $0x1  }
0x17: {  	s4 =	simm.s32 $0x1BF5;
	[smem:$0x3FB0] =	sst s0  }
0x18: {  	s0 =	sld [smem:$0x3F93];
	_ =	swait.ge [sflag:s4], $0x0  }
0x19: {  	s7 =	sld [smem:$0x3F94]  }
0x1a: {  	s8 =	sadd.s32 $0xFFFFE003, lr  }
0x1b: {  	s9 =	sadd.s32 $0xFFFFFEF7, lr;
	s5 =	simm.s32 $0xFFFFFFFF;
	p2 =	slt.u32 s8, $0xFFFFF086  }
0x1c: {  	p1 =	slt.u32 s9, $0xF7A;
	s5 =	simm.s32 @!p2 $0x0  }
0x1d: {  	s5 =	simm.s32 @p1 $0x1;
	p0 =	seq.s32 s7, s2  }
0x1e: {  	s7 =	smul.u32 @!p0 $0xF7A, s2;
	p2 =	seq.s32 @!p0 s5, $0x0  }
0x1f: {  	s9 =	smul.u32 $0xF7A, s1;
	s8 =	simm.s32 @!p0 $0x1BF5;
	p2 =	por !p2, p0  }
0x20: {  	[sflag:s8] =	ssyncset.s32 @!p0 $0xFFFFF086;
	s6 =	sadd.s32 @!p0 s3, s7;
	s7 =	simm.s32 @!p0 $0x108  }
0x21: {  	s3 =	sadd.s32 s3, s9;
	s6 =	sadd.s32 @!p0 $0x88, s6;
	s7 =	simm.s32 @p2 $0x1082  }
0x22: {  	[simem:s7], [sflag:s8] =	dma.local @!p0 [hbm:s6], $0xF7A  }
0x23: {  	s9 =	sor.u32 $0xD0000000, s2;
	s6 =	simm.s32 $0x108;
	_ =	swait.ge @!p0 [sflag:s8], $0x0  }
0x24: {  	s3 =	sadd.s32 $0x88, s3;
	s6 =	simm.s32 @!p1 $0x1082;
	[sflag:s4] =	ssyncset.s32 $0xFFFFF086  }
0x25: {  	[simem:s6], [sflag:s4] =	dma.local [hbm:s3], $0xF7A  }
0x26: {  	[smem:$0x3F94] =	sst s1;
	(tag) =	ssettag s2;
	_ =	strace s9  }
0x27: {  	s1 =	sld [smem:$0x3FA4]  }
0x28: {  	s2 =	sld [smem:$0x3FA5]  }
0x29: {  	s4 =	sld [smem:$0x3FA7]  }
0x2a: {  	p0 =	seq.s32 s5, $0x0;
	s5 =	sld [smem:$0x3FA8]  }
0x2b: {  	s6 =	sld [smem:$0x3FA9]  }
0x2c: {  	s7 =	sld [smem:$0x3FAA]  }
0x2d: {  	s3 =	simm.s32 $0x108;
	s8 =	sld [smem:$0x3FAB]  }
0x2e: {  	s3 =	simm.s32 @!p0 $0x1082;
	s9 =	sld [smem:$0x3FAC]  }
0x2f: {  	lr =	sadd.s32 s0, s3;
	s0 =	sld [smem:$0x3FA3]  }
0x30: {  	s3 =	sld [smem:$0x3FA6]  }
0x31: {  	[smem:$0x3FAF] =	sst s10  }
0x32: {  	s10 =	sld [smem:$0x3FAD];
	_ =	sdelay $0x3  }
0x33: {  	p0 =	seq.s32 s10, $0x1;
	s10 =	sld [smem:$0x3FAF];
	_ =	sdelay $0x3  }
0x34: {  	[smem:$0x3FAF] =	sst s10  }
0x35: {  	s10 =	sld [smem:$0x3FAE];
	_ =	sdelay $0x3  }
0x36: {  	p1 =	seq.s32 s10, $0x1;
	s10 =	sld [smem:$0x3FAF];
	_ =	sdelay $0x3  }
0x37: {  	[smem:$0x3FAF] =	sst s10  }
0x38: {  	s10 =	sld [smem:$0x3FB0]  }
0x39: {  	_ = 	snop;
	(pc) =	sbr.ind lr, $3  }
0x3a: {  	_ = 	snop  }
0x3b: {  	_ = 	snop  }
0x3c: {  	p2 =	seq.s32 s10, $0x1;
	s10 =	sld [smem:$0x3FAF]  }
0x3d: {  	_ =	shalt  }
0x3e: {  	_ =	shalt  }
0x3f: {  	_ =	shalt  }
0x40: {  	_ =	shalt  }
0x41: {  	_ =	shalt  }
0x42: {  	_ =	shalt  }
0x43: {  	_ =	shalt  }
0x44: {  	_ =	shalt  }
0x45: {  	_ =	shalt  }
0x46: {  	_ =	shalt  }
0x47: {  	_ =	shalt  }
0x48: {  	_ =	shalt  }
0x49: {  	_ =	shalt  }
0x4a: {  	_ =	shalt  }
0x4b: {  	_ =	shalt  }
0x4c: {  	_ =	shalt  }
0x4d: {  	_ =	shalt  }
0x4e: {  	_ =	shalt  }
0x4f: {  	_ =	shalt  }
0x50: {  	_ =	shalt  }
0x51: {  	_ =	shalt  }
0x52: {  	_ =	shalt  }
0x53: {  	_ =	shalt  }
0x54: {  	_ =	shalt  }
0x55: {  	_ =	shalt  }
0x56: {  	_ =	shalt  }
0x57: {  	_ =	shalt  }
0x58: {  	_ =	shalt  }
0x59: {  	_ =	shalt  }
0x5a: {  	_ =	shalt  }
0x5b: {  	_ =	shalt  }
0x5c: {  	_ =	shalt  }
0x5d: {  	_ =	shalt  }
0x5e: {  	_ =	shalt  }
0x5f: {  	_ =	shalt  }
0x60: {  	_ =	shalt  }
0x61: {  	_ =	shalt  }
0x62: {  	_ =	shalt  }
0x63: {  	_ =	shalt  }
0x64: {  	_ =	shalt  }
0x65: {  	_ =	shalt  }
0x66: {  	_ =	shalt  }
0x67: {  	_ =	shalt  }
0x68: {  	_ =	shalt  }
0x69: {  	_ =	shalt  }
0x6a: {  	_ =	shalt  }
0x6b: {  	_ =	shalt  }
0x6c: {  	_ =	shalt  }
0x6d: {  	_ =	shalt  }
0x6e: {  	_ =	shalt  }
0x6f: {  	_ =	shalt  }
0x70: {  	_ =	shalt  }
0x71: {  	_ =	shalt  }
0x72: {  	_ =	shalt  }
0x73: {  	_ =	shalt  }
0x74: {  	_ =	shalt  }
0x75: {  	_ =	shalt  }
0x76: {  	_ =	shalt  }
0x77: {  	_ =	shalt  }
0x78: {  	_ =	shalt  }
0x79: {  	_ =	shalt  }
0x7a: {  	_ =	shalt  }
0x7b: {  	_ =	shalt  }
0x7c: {  	_ =	shalt  }
0x7d: {  	_ =	shalt  }
0x7e: {  	_ =	shalt  }
0x7f: {  	_ =	shalt  }
0x80: {  	_ =	shalt  }
0x81: {  	_ =	shalt  }
0x82: {  	_ =	shalt  }
0x83: {  	_ =	shalt  }
0x84: {  	_ =	shalt  }
0x85: {  	_ =	shalt  }
0x86: {  	_ =	shalt  }
0x87: {  	_ =	shalt  }
.Lfunc_end0:
.L_simem_size_0:
called_computation.2_lowered:
.L_overlay_start_0:
0x88: {  	s2 =	sld [smem:$0x3FD9]  }
0x89: {  	s3 =	sld [smem:$0x3FFE];
	_ =	sdelay $0x1  }
0x8a: {  	s1 =	srdreg.scid  }
0x8b: {  	s0 =	sand.u32 $0x1, s1  }
0x8c: {  	s15 =	sshll.u32 s0, $0xA;
	s2 =	sadd.s32 s3, s2  }
0x8d: {  	s2 =	sadd.s32 s2, s15  }
0x8e: {  	[smem:$0x3FBB] =	sst s2  }
0x8f: {  	_ = 	snop  }
0x90: {  	s2 =	sld [smem:$0x3FD0];
	_ =	sdelay $0x2  }
0x91: {  	s16 =	simm.s32 $0xB;
	s4 =	simm.s32 $0x10  }
0x92: {  	[smem:s4], [sflag:s16] =	dma.local [hbm:s2], $0x1  }
0x93: {  	_ =	swait.eq [sflag:s16], $0x1  }
0x94: {  	[sflag:s16] =	ssyncset.done $0x0  }
0x95: {  	[sflag:s16] =	ssyncadd.s32 $0xFFFFFFFF  }
0x96: {  	s17 =	sld [smem:$0x11];
	(tm) =	ssettm $0x1  }
0x97: {  	s18 =	sld [smem:$0x3FFB];
	_ =	sdelay $0x3  }
0x98: {  	_ =	strace s18  }
0x99: {  	s2 =	sld [smem:$0x3FFC];
	_ =	sdelay $0x3  }
0x9a: {  	_ =	strace s2  }
0x9b: {  	s2 =	sld [smem:$0x3FFD];
	_ =	sdelay $0x3  }
0x9c: {  	_ =	strace s2  }
0x9d: {  	_ =	strace $0x8FFFFFFF  }
0x9e: {  	s19 =	sld [smem:$0x3FDB];
	_ =	sdelay $0x1  }
0x9f: {  	s20 =	simm.s32 $_scs_section_size  }
0xa0: {  	s5 =	simm.s32 $_size__tile_overlayer_lowered;
	s6 =	simm.s32 $_tile_overlayer_lowered  }
0xa1: {  	s7 =	simm.s32 $0x1BFF;
	s21 =	sshll.u32 s6, $0x1;
	s4 =	sadd.s32 s20, s19  }
0xa2: {  	s22 =	simm.s32 $0x0;
	s5 =	sshll.u32 s5, $0x1;
	s6 =	sadd.s32 s21, s4  }
0xa3: {  	[timem:s22], [sflag:s7] =	dma.local [hbm:s6], s5  }
0xa4: {  	_ =	swait.ge [sflag:s7], s5  }
0xa5: {  	s5 =	ssub.s32 $0x0, s5;
	[sflag:s7] =	ssyncset.done $0x0  }
0xa6: {  	[sflag:s7] =	ssyncadd.s32 s5;
	_ =	sdelay $0x1  }
0xa7: {  	s23 =	simm.s32 $0x1B8B  }
0xa8: {  	_ =	swait.ge [sflag:s23], $0x1  }
0xa9: {  	[sflag:s23] =	ssyncset.done $0x0  }
0xaa: {  	[sflag:s23] =	ssyncadd.s32 $0xFFFFFFFF  }
0xab: {  	s5 =	sld [smem:$0x0]  }
0xac: {  	s6 =	sand.u32 $0xFFFFFFFE, s1  }
0xad: {  	p0 =	sne.s32 s1, s6  }
0xae: {  	s6 =	sshll.u32 @p0 s6, $0xE  }
0xaf: {  	s6 =	sadd.s32 @p0 $0x11B8D, s6;
	s7 =	sshll.u32 @p0 s5, $0x11  }
0xb0: {  	s6 =	sor.u32 @p0 s7, s6  }
0xb1: {  	[sflag:s6] =	ssyncadd.remote.s32 @p0 $0x1;
	_ =	sdelay $0x1  }
0xb2: {  	s6 =	simm.s32 @p0 $0x1B8D  }
0xb3: {  	_ =	swait.eq @p0 [sflag:s6], $0x1  }
0xb4: {  	[sflag:s6] =	ssyncadd.s32 @p0 $0xFFFFFFFF  }
0xb5: {  	s7 =	sshll.u32 @!p0 s1, $0xE  }
0xb6: {  	s7 =	sor.u32 @!p0 $0x4000, s7;
	s6 =	simm.s32 @!p0 $0x1B8D  }
0xb7: {  	s5 =	sshll.u32 @!p0 s5, $0x11;
	s7 =	sadd.s32 @!p0 $0x11B8D, s7;
	_ =	swait.eq @!p0 [sflag:s6], $0x1  }
0xb8: {  	s5 =	sor.u32 @!p0 s5, s7;
	[sflag:s6] =	ssyncadd.s32 @!p0 $0xFFFFFFFF  }
0xb9: {  	s25 =	simm.s32 $0x1B8E;
	s24 =	sld [smem:$0x3FFE];
	[sflag:s5] =	ssyncadd.remote.s32 @!p0 $0x1  }
0xba: {  	s26 =	simm.s32 $execute0_lowered;
	[smem:$0x3FD2] =	sst s25  }
0xbb: {  	s6 =	sshll.u32 s26, $0x1;
	_ =	strace $0x80000049;
	[dreg:$0x1] =	wrdreg $0xFFFFFFFF  }
0xbc: {  	s28 =	simm.s32 $_size_execute0_lowered;
	s4 =	sadd.s32 s4, s6;
	[dreg:$0x0] =	wrdreg $0x0  }
0xbd: {  	s6 =	sshll.u32 s28, $0x1;
	[dreg:$0x2] =	wrdreg s4  }
0xbe: {  	[dreg:$0x3] =	wrdreg s6  }
0xbf: {  	[dreg:$0x4] =	wrdreg $0xC0  }
0xc0: {  	_ =	task [dreg:s22], $0x5FFFF  }
0xc1: {  	[dreg:$0x1] =	wrdreg $0xFFFFFFFF  }
0xc2: {  	[dreg:$0x0] =	wrdreg $0x60  }
0xc3: {  	[dreg:$0x2] =	wrdreg s24  }
0xc4: {  	[dreg:$0x3] =	wrdreg s17  }
0xc5: {  	[dreg:$0x4] =	wrdreg $0x90000  }
0xc6: {  	[dreg:$0x5] =	wrdreg $0x12E000  }
0xc7: {  	[dreg:$0x6] =	wrdreg $0xA  }
0xc8: {  	_ =	task.clear_ibuf [dreg:s22], $0x7FFFF;
	_ =	strace $0x90000049  }
0xc9: {  	s29 =	simm.s32 $0xA;
	_ =	strace $0x8000004B  }
0xca: {  	_ =	swait.ge [sflag:s29], $0x1  }
0xcb: {  	[sflag:s29] =	ssyncadd.s32 $0xFFFFFFFF  }
0xcc: {  	_ =	strace $0x9000004B  }
0xcd: {  	_ =	sfence  }
0xce: {  	s30 =	sld [smem:$0x0];
	_ =	sdelay $0x2  }
0xcf: {  	s31 =	sshll.u32 s1, $0xD;
	s1 =	sshrl.u32 s1, $0x2  }
0xd0: {  	s4 =	sand.u32 $0x4000, s31;
	s1 =	sadd.s32 s1, s30  }
0xd1: {  	s0 =	sor.u32 s4, s0;
	s1 =	sshll.u32 s1, $0x11  }
0xd2: {  	s0 =	sor.u32 s1, s0  }
0xd3: {  	s0 =	sadd.s32 $0x8F2B, s0  }
0xd4: {  	[sflag:s0] =	ssyncadd.remote.s32 $0x1  }
0xd5: {  	_ =	sfence.sel $0xFFFF  }
0xd6: {  	[dreg:$0x0] =	wrdreg $0xFFFFFFFF;
	(pc) =	sbr.abs _section_cstart, $3  }
0xd7: {  	[dreg:$0x1] =	wrdreg $0xFFFFFFFF  }
0xd8: {  	_ =	task.clear_ibuf [dreg:s22], $0x2FFFF;
	_ =	strace $0x9FFFFFFF  }
0xd9: {  	(tm) =	ssettm $0x7FFFFFFF  }
tec
execute0_lowered:
.L_overlay_start_1:
0x0: {  	(tag) =	ssettag $0x1  }
0x1: {  	s5 =	rddreg [dreg:$0x0]  }
0x2: {  	s9 =	rddreg [dreg:$0x1]  }
0x3: {  	s2 =	rddreg [dreg:$0x2]  }
0x4: {  	s3 =	rddreg [dreg:$0x3]  }
0x5: {  	s0 =	rddreg [dreg:$0x4];
	s4 =	simm.s32 $0x0;
	s1 =	stileid.u32  }
0x6: {  	s6 =	srdreg.scid;
	s15 =	simm.s32 $0x5000;
	s16 =	simm.s32 $0x1  }
0x7: {  	s17 =	simm.s32 $0x0;
	s7 =	smul.u32 $0x9E00, s1;
	s6 =	sand.u32 $0x1, s6  }
0x8: {  	s8 =	sshll.u32 s1, $0x1;
	[smem:$0x7FF] =	sst s4;
	s30 =	sshll.u32 s1, $0x6  }
0x9: {  	s8 =	sor.u32 s6, s8;
	s11 =	ssub.s32 $0x2, s6;
	_ =	strace $0x8000004A  }
0xa: {  	s29 =	smul.u32 $0x9E000, s6;
	s6 =	sor.u32 $0x1C02, s30;
	s10 =	sshrl.u32 s7, $0x3  }
0xb: {  	s8 =	smul.u32 $0xA00, s8;
	s12 =	sshrl.u32 s11, $0x1;
	s13 =	sadd.s32 s7, s2  }
0xc: {  	s14 =	sadd.s32 s7, s3;
	s10 =	sadd.s32 s10, s5;
	s11 =	ssub.s32 s11, s12  }
0xd: {  	s12 =	sadd.s32 s7, s29;
	s8 =	sadd.s32 s8, s5;
	s5 =	sadd.s32 $0x29C00, s10  }
0xe: {  	s7 =	sadd.s32 $0x51800, s10;
	s31 =	sshrl.u32 s12, $0x3;
	s10 =	smax.u32 s11, $0x1  }
0xf: {  	s11 =	sshrl.u32 s13, $0x3;
	s12 =	simm.s32 $0x2;
	s13 =	sshrl.u32 s14, $0x3  }
0x10: {  	s14 =	simm.s32 $0x100;
	s8 =	sadd.s32 $0x3D800, s8;
	s9 =	sadd.s32 s9, s31  }
.LBB2_1:
0x11: {  	[spmem:s11], [sflag:s6] =	dma.local [hbm:s5], $0x13C0  }
0x12: {  	_ =	swait.ge [sflag:s12], $0x13C0  }
0x13: {  	[sflag:s12] =	ssyncset.done $0x0  }
0x14: {  	[sflag:s12] =	ssyncadd.s32 $0xFFFFEC40  }
0x15: {  	[spmem:s13], [sflag:s6] =	dma.local [hbm:s7], $0x13C0  }
0x16: {  	_ =	swait.ge [sflag:s12], $0x13C0  }
0x17: {  	[sflag:s12] =	ssyncset.done $0x0  }
0x18: {  	[sflag:s12] =	ssyncadd.s32 $0xFFFFEC40  }
0x19: {  	[bflag:$0x0] =	sbarrier.arrive $0xFFFF  }
0x1a: {  	[tilespmem:s4], [sflag:$0x2] =	stream.linear.gather [hbm4b:s8+s4], $0x5000, $0x38;
	[tilespmem:$0x1CC00] =	vst v63  }
0x1b: {  	_ =	swait.ge [sflag:s12], $0x5000  }
0x1c: {  	[sflag:s12] =	ssyncset.done $0x0  }
0x1d: {  	s18 =	simm.s32 $0x0;
	[sflag:s12] =	ssyncadd.s32 $0xFFFFB000  }
0x1e: {  	[tilespmem:s15], [sflag:$0x1] =	stream.indirect.gather [spmem:s3], $0x40, s18, s14, $0xb8;
	[tilespmem:$0x1CC00] =	vst v63  }
0x1f: {  	_ =	swait.ge [sflag:s16], $0x4000  }
0x20: {  	[sflag:s16] =	ssyncset.done $0x0  }
0x21: {  	s31 =	simm.s32 $0x100;
	[sflag:s16] =	ssyncadd.s32 $0xFFFFC000  }
0x22: {  	[spmem:s2] =	stream.indirect.scatter.add.f32 [tilespmem:s15], [sflag:$0x2], $0x40, s31, s14, $0xb8;
	[tilespmem:$0x1CC00] =	vst v63  }
0x23: {  	_ =	swait.ge [sflag:s12], $0x4000  }
0x24: {  	s19 =	simm.s32 $0x1000;
	s18 =	simm.s32 $0x800;
	[sflag:s12] =	ssyncset.done $0x0  }
.LBB2_2:
0x25: {  	s20 =	sshra.s32 s18, $0x2  }
0x26: {  	[sflag:s12] =	ssyncadd.s32 $0xFFFFC000;
	s18 =	smov.u32 s19;
	s21 =	sadd.s32 $0x800, s19  }
0x27: {  	[tilespmem:s15], [sflag:$0x1] =	stream.indirect.gather [spmem:s3], $0x40, s20, s14, $0xb8;
	[tilespmem:$0x1CC00] =	vst v63  }
0x28: {  	p0 =	sne.s32 s19, $0x13800;
	_ =	swait.ge [sflag:s16], $0x4000  }
.Ltmp0:
0x29: {  	[sflag:s16] =	ssyncset.done $0x0;
	(pc) =	sbr.rel @p0 .LBB2_2-.Ltmp0, $4  }
0x2a: {  	s19 =	sadd.s32 $0x100, s20;
	[sflag:s16] =	ssyncadd.s32 $0xFFFFC000  }
0x2b: {  	[spmem:s2] =	stream.indirect.scatter.add.f32 [tilespmem:s15], [sflag:$0x2], $0x40, s19, s14, $0xb8;
	[tilespmem:$0x1CC00] =	vst v63  }
0x2c: {  	_ =	swait.ge [sflag:s12], $0x4000  }
0x2d: {  	s19 =	smov.u32 s21;
	[sflag:s12] =	ssyncset.done $0x0  }
0x2e: {  	s18 =	sshra.s32 s18, $0x2;
	[sflag:s12] =	ssyncadd.s32 $0xFFFFC000  }
0x2f: {  	[tilespmem:s15], [sflag:$0x1] =	stream.indirect.gather [spmem:s3], $0x40, s18, s14, $0xb8;
	[tilespmem:$0x1CC00] =	vst v63  }
0x30: {  	_ =	swait.ge [sflag:s16], $0x4000  }
0x31: {  	[sflag:s16] =	ssyncset.done $0x0  }
0x32: {  	s18 =	sadd.s32 $0x100, s18;
	[sflag:s16] =	ssyncadd.s32 $0xFFFFC000  }
0x33: {  	[spmem:s2] =	stream.indirect.scatter.add.f32 [tilespmem:s15], [sflag:$0x2], $0x40, s18, s14, $0xb8;
	[tilespmem:$0x1CC00] =	vst v63  }
0x34: {  	_ =	swait.ge [sflag:s12], $0x4000  }
0x35: {  	s17 =	sadd.s32 $0x1, s17;
	[sflag:s12] =	ssyncset.done $0x0  }
0x36: {  	p0 =	sne.s32 s17, s10;
	[sflag:s12] =	ssyncadd.s32 $0xFFFFC000  }
.Ltmp1:
0x37: {  	[bflag:$0x0] =	sbarrier.arrive $0xFFFF;
	(pc) =	sbr.rel @p0 .LBB2_1-.Ltmp1, $4  }
0x38: {  	[hbm:s9], [sflag:s6] =	dma.local [spmem:s11], $0x13C0  }
0x39: {  	_ =	swait.ge [sflag:s12], $0x13C0  }
0x3a: {  	[sflag:s12] =	ssyncset.done $0x0  }
0x3b: {  	[sflag:s12] =	ssyncadd.s32 $0xFFFFEC40  }
0x3c: {  	_ =	sfence.sel $0x180000  }
0x3d: {  	[bflag:$0x0] =	sbarrier.arrive $0xFFFF  }
0x3e: {  	p0 =	sne.s32 s1, $0x0;
	_ =	strace $0x9000004A  }
0x3f: {  	s0 =	sadd.s32 @!p0 $0x100000, s0;
	[bflag:$0x2] =	sbarrier.arrive $0xFFFF  }
0x40: {  	[sflag:s0] =	ssyncadd.tile.s32 @!p0 $0x1;
	_ =	shalt  }
.Lfunc_end2:
_tile_overlayer_lowered:
.L_overlay_start_2:
0x41: {  	(tag) =	ssettag $0x2  }
0x42: {  	s0 =	rddreg [dreg:$0x0];
	s2 =	stileid.u32  }
0x43: {  	s1 =	rddreg [dreg:$0x1];
	p0 =	sne.s32 s2, $0x0  }
0x44: {  	s3 =	rddreg [dreg:$0x2];
	[bflag:$0x3] =	sbarrier.arrive $0xFFFF;
	s2 =	simm.s32 @!p0 $0x1C02  }
0x45: {  	[timem:s3], [sflag:s2] =	dma.local @!p0 [hbm:s0], s1  }
0x46: {  	s0 =	simm.s32 @!p0 $0x2  }
0x47: {  	_ =	swait.ge @!p0 [sflag:s0], s1  }
0x48: {  	s1 =	ssub.s32 @!p0 $0x0, s1;
	[sflag:s0] =	ssyncset.done @!p0 $0x0  }
0x49: {  	[sflag:s0] =	ssyncadd.s32 @!p0 s1  }
0x4a: {  	[bflag:$0x3] =	sbarrier.arrive $0xFFFF  }
0x4b: {  	_ =	shalt  }

// kernel: kernel.21.cloned.1.call-start
scs
__scs_entry_jumppad:
0x0: {  	(pc) =	sbr.rel $0x88, $3  }
0x1: {  	(tag) =	ssettag $0x0;
	lr =	simm.s32 $0x1  }
0x2: {  	[smem:$0x3F94] =	sst lr;
	_ =	strace $0xD0000000  }
0x3: {  	_ = 	snop  }
0x4: {  	_ = 	snop  }
0x5: {  	_ = 	snop  }
0x6: {  	_ = 	snop  }
0x7: {  	_ = 	snop  }
__scs_overlays_trampoline_lowered:
0x8: {  	[smem:$0x3FA3] =	sst s0  }
0x9: {  	[smem:$0x3FA4] =	sst s1  }
0xa: {  	[smem:$0x3FA5] =	sst s2  }
0xb: {  	[smem:$0x3FA6] =	sst s3  }
0xc: {  	[smem:$0x3FA7] =	sst s4  }
0xd: {  	[smem:$0x3FA8] =	sst s5  }
0xe: {  	[smem:$0x3FA9] =	sst s6  }
0xf: {  	[smem:$0x3FAA] =	sst s7  }
0x10: {  	[smem:$0x3FAB] =	sst s8  }
0x11: {  	[smem:$0x3FAC] =	sst s9;
	s0 =	simm.s32 @!p0 $0x0  }
0x12: {  	s1 =	sld [smem:$0x3F92];
	s0 =	simm.s32 @p0 $0x1  }
0x13: {  	[smem:$0x3FAD] =	sst s0;
	s0 =	simm.s32 @!p1 $0x0  }
0x14: {  	s2 =	sld [smem:$0x3F91];
	s0 =	simm.s32 @p1 $0x1  }
0x15: {  	[smem:$0x3FAE] =	sst s0;
	s0 =	simm.s32 @!p2 $0x0  }
0x16: {  	s3 =	sld [smem:$0x3FDB];
	s0 =	simm.s32 @p2 $0x1  }
0x17: {  	s4 =	simm.s32 $0x1BF5;
	[smem:$0x3FB0] =	sst s0  }
0x18: {  	s0 =	sld [smem:$0x3F93];
	_ =	swait.ge [sflag:s4], $0x0  }
0x19: {  	s7 =	sld [smem:$0x3F94]  }
0x1a: {  	s8 =	sadd.s32 $0xFFFFE003, lr  }
0x1b: {  	s9 =	sadd.s32 $0xFFFFFEF7, lr;
	s5 =	simm.s32 $0xFFFFFFFF;
	p2 =	slt.u32 s8, $0xFFFFF086  }
0x1c: {  	p1 =	slt.u32 s9, $0xF7A;
	s5 =	simm.s32 @!p2 $0x0  }
0x1d: {  	s5 =	simm.s32 @p1 $0x1;
	p0 =	seq.s32 s7, s2  }
0x1e: {  	s7 =	smul.u32 @!p0 $0xF7A, s2;
	p2 =	seq.s32 @!p0 s5, $0x0  }
0x1f: {  	s9 =	smul.u32 $0xF7A, s1;
	s8 =	simm.s32 @!p0 $0x1BF5;
	p2 =	por !p2, p0  }
0x20: {  	[sflag:s8] =	ssyncset.s32 @!p0 $0xFFFFF086;
	s6 =	sadd.s32 @!p0 s3, s7;
	s7 =	simm.s32 @!p0 $0x108  }
0x21: {  	s3 =	sadd.s32 s3, s9;
	s6 =	sadd.s32 @!p0 $0x88, s6;
	s7 =	simm.s32 @p2 $0x1082  }
0x22: {  	[simem:s7], [sflag:s8] =	dma.local @!p0 [hbm:s6], $0xF7A  }
0x23: {  	s9 =	sor.u32 $0xD0000000, s2;
	s6 =	simm.s32 $0x108;
	_ =	swait.ge @!p0 [sflag:s8], $0x0  }
0x24: {  	s3 =	sadd.s32 $0x88, s3;
	s6 =	simm.s32 @!p1 $0x1082;
	[sflag:s4] =	ssyncset.s32 $0xFFFFF086  }
0x25: {  	[simem:s6], [sflag:s4] =	dma.local [hbm:s3], $0xF7A  }
0x26: {  	[smem:$0x3F94] =	sst s1;
	(tag) =	ssettag s2;
	_ =	strace s9  }
0x27: {  	s1 =	sld [smem:$0x3FA4]  }
0x28: {  	s2 =	sld [smem:$0x3FA5]  }
0x29: {  	s4 =	sld [smem:$0x3FA7]  }
0x2a: {  	p0 =	seq.s32 s5, $0x0;
	s5 =	sld [smem:$0x3FA8]  }
0x2b: {  	s6 =	sld [smem:$0x3FA9]  }
0x2c: {  	s7 =	sld [smem:$0x3FAA]  }
0x2d: {  	s3 =	simm.s32 $0x108;
	s8 =	sld [smem:$0x3FAB]  }
0x2e: {  	s3 =	simm.s32 @!p0 $0x1082;
	s9 =	sld [smem:$0x3FAC]  }
0x2f: {  	lr =	sadd.s32 s0, s3;
	s0 =	sld [smem:$0x3FA3]  }
0x30: {  	s3 =	sld [smem:$0x3FA6]  }
0x31: {  	[smem:$0x3FAF] =	sst s10  }
0x32: {  	s10 =	sld [smem:$0x3FAD];
	_ =	sdelay $0x3  }
0x33: {  	p0 =	seq.s32 s10, $0x1;
	s10 =	sld [smem:$0x3FAF];
	_ =	sdelay $0x3  }
0x34: {  	[smem:$0x3FAF] =	sst s10  }
0x35: {  	s10 =	sld [smem:$0x3FAE];
	_ =	sdelay $0x3  }
0x36: {  	p1 =	seq.s32 s10, $0x1;
	s10 =	sld [smem:$0x3FAF];
	_ =	sdelay $0x3  }
0x37: {  	[smem:$0x3FAF] =	sst s10  }
0x38: {  	s10 =	sld [smem:$0x3FB0]  }
0x39: {  	_ = 	snop;
	(pc) =	sbr.ind lr, $3  }
0x3a: {  	_ = 	snop  }
0x3b: {  	_ = 	snop  }
0x3c: {  	p2 =	seq.s32 s10, $0x1;
	s10 =	sld [smem:$0x3FAF]  }
0x3d: {  	_ =	shalt  }
0x3e: {  	_ =	shalt  }
0x3f: {  	_ =	shalt  }
0x40: {  	_ =	shalt  }
0x41: {  	_ =	shalt  }
0x42: {  	_ =	shalt  }
0x43: {  	_ =	shalt  }
0x44: {  	_ =	shalt  }
0x45: {  	_ =	shalt  }
0x46: {  	_ =	shalt  }
0x47: {  	_ =	shalt  }
0x48: {  	_ =	shalt  }
0x49: {  	_ =	shalt  }
0x4a: {  	_ =	shalt  }
0x4b: {  	_ =	shalt  }
0x4c: {  	_ =	shalt  }
0x4d: {  	_ =	shalt  }
0x4e: {  	_ =	shalt  }
0x4f: {  	_ =	shalt  }
0x50: {  	_ =	shalt  }
0x51: {  	_ =	shalt  }
0x52: {  	_ =	shalt  }
0x53: {  	_ =	shalt  }
0x54: {  	_ =	shalt  }
0x55: {  	_ =	shalt  }
0x56: {  	_ =	shalt  }
0x57: {  	_ =	shalt  }
0x58: {  	_ =	shalt  }
0x59: {  	_ =	shalt  }
0x5a: {  	_ =	shalt  }
0x5b: {  	_ =	shalt  }
0x5c: {  	_ =	shalt  }
0x5d: {  	_ =	shalt  }
0x5e: {  	_ =	shalt  }
0x5f: {  	_ =	shalt  }
0x60: {  	_ =	shalt  }
0x61: {  	_ =	shalt  }
0x62: {  	_ =	shalt  }
0x63: {  	_ =	shalt  }
0x64: {  	_ =	shalt  }
0x65: {  	_ =	shalt  }
0x66: {  	_ =	shalt  }
0x67: {  	_ =	shalt  }
0x68: {  	_ =	shalt  }
0x69: {  	_ =	shalt  }
0x6a: {  	_ =	shalt  }
0x6b: {  	_ =	shalt  }
0x6c: {  	_ =	shalt  }
0x6d: {  	_ =	shalt  }
0x6e: {  	_ =	shalt  }
0x6f: {  	_ =	shalt  }
0x70: {  	_ =	shalt  }
0x71: {  	_ =	shalt  }
0x72: {  	_ =	shalt  }
0x73: {  	_ =	shalt  }
0x74: {  	_ =	shalt  }
0x75: {  	_ =	shalt  }
0x76: {  	_ =	shalt  }
0x77: {  	_ =	shalt  }
0x78: {  	_ =	shalt  }
0x79: {  	_ =	shalt  }
0x7a: {  	_ =	shalt  }
0x7b: {  	_ =	shalt  }
0x7c: {  	_ =	shalt  }
0x7d: {  	_ =	shalt  }
0x7e: {  	_ =	shalt  }
0x7f: {  	_ =	shalt  }
0x80: {  	_ =	shalt  }
0x81: {  	_ =	shalt  }
0x82: {  	_ =	shalt  }
0x83: {  	_ =	shalt  }
0x84: {  	_ =	shalt  }
0x85: {  	_ =	shalt  }
0x86: {  	_ =	shalt  }
0x87: {  	_ =	shalt  }
.Lfunc_end0:
.L_simem_size_0:
called_computation.3_lowered:
.L_overlay_start_0:
0x88: {  	s2 =	sld [smem:$0x3FD9]  }
0x89: {  	s3 =	sld [smem:$0x3FFE];
	_ =	sdelay $0x1  }
0x8a: {  	s1 =	srdreg.scid  }
0x8b: {  	s0 =	sand.u32 $0x1, s1  }
0x8c: {  	s17 =	sshll.u32 s0, $0xA;
	s2 =	sadd.s32 s3, s2  }
0x8d: {  	s2 =	sadd.s32 s2, s17  }
0x8e: {  	[smem:$0x3FBB] =	sst s2  }
0x8f: {  	_ = 	snop  }
0x90: {  	(tm) =	ssettm $0x1  }
0x91: {  	s18 =	sld [smem:$0x3FFB];
	_ =	sdelay $0x3  }
0x92: {  	_ =	strace s18  }
0x93: {  	s2 =	sld [smem:$0x3FFC];
	_ =	sdelay $0x3  }
0x94: {  	_ =	strace s2  }
0x95: {  	s2 =	sld [smem:$0x3FFD];
	_ =	sdelay $0x3  }
0x96: {  	_ =	strace s2  }
0x97: {  	_ =	strace $0x8FFFFFFF  }
0x98: {  	s19 =	sld [smem:$0x3FDB];
	_ =	sdelay $0x1  }
0x99: {  	s20 =	simm.s32 $_scs_section_size  }
0x9a: {  	s4 =	simm.s32 $_size__tile_overlayer_lowered;
	s5 =	simm.s32 $_tile_overlayer_lowered  }
0x9b: {  	s6 =	simm.s32 $0x1BFF;
	s21 =	sshll.u32 s5, $0x1;
	s3 =	sadd.s32 s20, s19  }
0x9c: {  	s22 =	simm.s32 $0x0;
	s4 =	sshll.u32 s4, $0x1;
	s5 =	sadd.s32 s21, s3  }
0x9d: {  	[timem:s22], [sflag:s6] =	dma.local [hbm:s5], s4  }
0x9e: {  	_ =	swait.ge [sflag:s6], s4  }
0x9f: {  	s4 =	ssub.s32 $0x0, s4;
	[sflag:s6] =	ssyncset.done $0x0  }
0xa0: {  	[sflag:s6] =	ssyncadd.s32 s4;
	_ =	sdelay $0x1  }
0xa1: {  	s23 =	simm.s32 $0x1B8B  }
0xa2: {  	_ =	swait.ge [sflag:s23], $0x1  }
0xa3: {  	[sflag:s23] =	ssyncset.done $0x0  }
0xa4: {  	[sflag:s23] =	ssyncadd.s32 $0xFFFFFFFF  }
0xa5: {  	s4 =	sld [smem:$0x0]  }
0xa6: {  	s5 =	sand.u32 $0xFFFFFFFE, s1  }
0xa7: {  	p0 =	sne.s32 s1, s5  }
0xa8: {  	s5 =	sshll.u32 @p0 s5, $0xE  }
0xa9: {  	s5 =	sadd.s32 @p0 $0x11B8D, s5;
	s6 =	sshll.u32 @p0 s4, $0x11  }
0xaa: {  	s5 =	sor.u32 @p0 s6, s5  }
0xab: {  	[sflag:s5] =	ssyncadd.remote.s32 @p0 $0x1;
	_ =	sdelay $0x1  }
0xac: {  	s5 =	simm.s32 @p0 $0x1B8D  }
0xad: {  	_ =	swait.eq @p0 [sflag:s5], $0x1  }
0xae: {  	[sflag:s5] =	ssyncadd.s32 @p0 $0xFFFFFFFF  }
0xaf: {  	s6 =	sshll.u32 @!p0 s1, $0xE  }
0xb0: {  	s6 =	sor.u32 @!p0 $0x4000, s6;
	s5 =	simm.s32 @!p0 $0x1B8D  }
0xb1: {  	s4 =	sshll.u32 @!p0 s4, $0x11;
	s6 =	sadd.s32 @!p0 $0x11B8D, s6;
	_ =	swait.eq @!p0 [sflag:s5], $0x1  }
0xb2: {  	s4 =	sor.u32 @!p0 s4, s6;
	[sflag:s5] =	ssyncadd.s32 @!p0 $0xFFFFFFFF  }
0xb3: {  	s25 =	simm.s32 $0x1B8E;
	s24 =	sld [smem:$0x3FFE];
	[sflag:s4] =	ssyncadd.remote.s32 @!p0 $0x1  }
0xb4: {  	s26 =	simm.s32 $execute0_lowered;
	[smem:$0x3FD2] =	sst s25  }
0xb5: {  	s5 =	sshll.u32 s26, $0x1;
	_ =	strace $0x8000004F;
	[dreg:$0x1] =	wrdreg $0xFFFFFFFF  }
0xb6: {  	s28 =	simm.s32 $_size_execute0_lowered;
	s3 =	sadd.s32 s3, s5;
	[dreg:$0x0] =	wrdreg $0x0  }
0xb7: {  	s5 =	sshll.u32 s28, $0x1;
	[dreg:$0x2] =	wrdreg s3  }
0xb8: {  	[dreg:$0x3] =	wrdreg s5  }
0xb9: {  	[dreg:$0x4] =	wrdreg $0xC0  }
0xba: {  	_ =	task [dreg:s22], $0x5FFFF  }
0xbb: {  	[dreg:$0x1] =	wrdreg $0xFFFFFFFF  }
0xbc: {  	[dreg:$0x0] =	wrdreg $0x60  }
0xbd: {  	[dreg:$0x2] =	wrdreg s24  }
0xbe: {  	[dreg:$0x3] =	wrdreg $0x90000  }
0xbf: {  	[dreg:$0x4] =	wrdreg $0x12E000  }
0xc0: {  	[dreg:$0x5] =	wrdreg $0xA  }
0xc1: {  	_ =	task.clear_ibuf [dreg:s22], $0x6FFFF;
	_ =	strace $0x9000004F  }
0xc2: {  	s29 =	simm.s32 $0xA;
	_ =	strace $0x80000051  }
0xc3: {  	_ =	swait.ge [sflag:s29], $0x1  }
0xc4: {  	[sflag:s29] =	ssyncadd.s32 $0xFFFFFFFF  }
0xc5: {  	_ =	strace $0x90000051  }
0xc6: {  	_ =	sfence  }
0xc7: {  	s30 =	sld [smem:$0x0];
	_ =	sdelay $0x2  }
0xc8: {  	s31 =	sshll.u32 s1, $0xD;
	s1 =	sshrl.u32 s1, $0x2  }
0xc9: {  	s4 =	sand.u32 $0x4000, s31;
	s1 =	sadd.s32 s1, s30  }
0xca: {  	s0 =	sor.u32 s4, s0;
	s1 =	sshll.u32 s1, $0x11  }
0xcb: {  	s0 =	sor.u32 s1, s0  }
0xcc: {  	s0 =	sadd.s32 $0x8F2B, s0  }
0xcd: {  	[sflag:s0] =	ssyncadd.remote.s32 $0x1  }
0xce: {  	_ =	sfence.sel $0xFFFF  }
0xcf: {  	[dreg:$0x0] =	wrdreg $0xFFFFFFFF;
	(pc) =	sbr.abs _section_cstart, $3  }
0xd0: {  	[dreg:$0x1] =	wrdreg $0xFFFFFFFF  }
0xd1: {  	_ =	task.clear_ibuf [dreg:s22], $0x2FFFF;
	_ =	strace $0x9FFFFFFF  }
0xd2: {  	(tm) =	ssettm $0x7FFFFFFF  }
0xd3: {  	_ =	shalt  }
tec
execute0_lowered:
.L_overlay_start_1:
0x0: {  	(tag) =	ssettag $0x1  }
0x1: {  	s5 =	rddreg [dreg:$0x0]  }
0x2: {  	s2 =	rddreg [dreg:$0x1]  }
0x3: {  	s3 =	rddreg [dreg:$0x2]  }
0x4: {  	s0 =	rddreg [dreg:$0x3]  }
0x5: {  	s4 =	simm.s32 $0x0;
	s1 =	stileid.u32;
	s6 =	srdreg.scid  }
0x6: {  	s14 =	simm.s32 $0x100;
	s15 =	simm.s32 $0x5000;
	s16 =	simm.s32 $0x1  }
0x7: {  	s17 =	simm.s32 $0x0;
	s7 =	smul.u32 $0x9E00, s1;
	s6 =	sand.u32 $0x1, s6  }
0x8: {  	s8 =	sshll.u32 s1, $0x1;
	[smem:$0x7FF] =	sst s4;
	s31 =	sshll.u32 s1, $0x6  }
0x9: {  	s8 =	sor.u32 s6, s8;
	s9 =	smul.u32 $0x9E000, s6;
	_ =	strace $0x80000050  }
0xa: {  	s6 =	ssub.s32 $0x2, s6;
	s10 =	sshrl.u32 s7, $0x3;
	s8 =	smul.u32 $0xA00, s8  }
0xb: {  	s11 =	sshrl.u32 s6, $0x1;
	s12 =	sadd.s32 s7, s2;
	s13 =	sadd.s32 s7, s3  }
0xc: {  	s10 =	sadd.s32 s10, s5;
	s9 =	sadd.s32 s7, s9;
	s11 =	ssub.s32 s6, s11  }
0xd: {  	s6 =	sor.u32 $0x1C02, s31;
	s13 =	sshrl.u32 s13, $0x3;
	s9 =	sshrl.u32 s9, $0x3  }
0xe: {  	s8 =	sadd.s32 s8, s5;
	s7 =	sadd.s32 $0x51800, s10;
	s9 =	sadd.s32 s9, s5  }
0xf: {  	s5 =	sadd.s32 $0x29C00, s10;
	s8 =	sadd.s32 $0x3D800, s8;
	s10 =	smax.u32 s11, $0x1  }
0x10: {  	s11 =	sshrl.u32 s12, $0x3;
	s12 =	simm.s32 $0x2;
	s9 =	sadd.s32 $0x65400, s9  }
.LBB2_1:
0x11: {  	[spmem:s11], [sflag:s6] =	dma.local [hbm:s5], $0x13C0  }
0x12: {  	_ =	swait.ge [sflag:s12], $0x13C0  }
0x13: {  	[sflag:s12] =	ssyncset.done $0x0  }
0x14: {  	[sflag:s12] =	ssyncadd.s32 $0xFFFFEC40  }
0x15: {  	[spmem:s13], [sflag:s6] =	dma.local [hbm:s7], $0x13C0  }
0x16: {  	_ =	swait.ge [sflag:s12], $0x13C0  }
0x17: {  	[sflag:s12] =	ssyncset.done $0x0  }
0x18: {  	[sflag:s12] =	ssyncadd.s32 $0xFFFFEC40  }
0x19: {  	[bflag:$0x0] =	sbarrier.arrive $0xFFFF  }
0x1a: {  	[tilespmem:s4], [sflag:$0x2] =	stream.linear.gather [hbm4b:s8+s4], $0x5000, $0x38;
	[tilespmem:$0x1CC00] =	vst v63  }
0x1b: {  	_ =	swait.ge [sflag:s12], $0x5000  }
0x1c: {  	[sflag:s12] =	ssyncset.done $0x0  }
0x1d: {  	s18 =	simm.s32 $0x0;
	[sflag:s12] =	ssyncadd.s32 $0xFFFFB000  }
0x1e: {  	[tilespmem:s15], [sflag:$0x1] =	stream.indirect.gather [spmem:s3], $0x40, s18, s14, $0xb8;
	[tilespmem:$0x1CC00] =	vst v63  }
0x1f: {  	_ =	swait.ge [sflag:s16], $0x4000  }
0x20: {  	[sflag:s16] =	ssyncset.done $0x0  }
0x21: {  	s31 =	simm.s32 $0x100;
	[sflag:s16] =	ssyncadd.s32 $0xFFFFC000  }
0x22: {  	[spmem:s2] =	stream.indirect.scatter.add.f32 [tilespmem:s15], [sflag:$0x2], $0x40, s31, s14, $0xb8;
	[tilespmem:$0x1CC00] =	vst v63  }
0x23: {  	_ =	swait.ge [sflag:s12], $0x4000  }
0x24: {  	s19 =	simm.s32 $0x1000;
	s18 =	simm.s32 $0x800;
	[sflag:s12] =	ssyncset.done $0x0  }
.LBB2_2:
0x25: {  	s20 =	sshra.s32 s18, $0x2  }
0x26: {  	[sflag:s12] =	ssyncadd.s32 $0xFFFFC000;
	s18 =	smov.u32 s19;
	s21 =	sadd.s32 $0x800, s19  }
0x27: {  	[tilespmem:s15], [sflag:$0x1] =	stream.indirect.gather [spmem:s3], $0x40, s20, s14, $0xb8;
	[tilespmem:$0x1CC00] =	vst v63  }
0x28: {  	p0 =	sne.s32 s19, $0x13800;
	_ =	swait.ge [sflag:s16], $0x4000  }
.Ltmp0:
0x29: {  	[sflag:s16] =	ssyncset.done $0x0;
	(pc) =	sbr.rel @p0 .LBB2_2-.Ltmp0, $4  }
0x2a: {  	s19 =	sadd.s32 $0x100, s20;
	[sflag:s16] =	ssyncadd.s32 $0xFFFFC000  }
0x2b: {  	[spmem:s2] =	stream.indirect.scatter.add.f32 [tilespmem:s15], [sflag:$0x2], $0x40, s19, s14, $0xb8;
	[tilespmem:$0x1CC00] =	vst v63  }
0x2c: {  	_ =	swait.ge [sflag:s12], $0x4000  }
0x2d: {  	s19 =	smov.u32 s21;
	[sflag:s12] =	ssyncset.done $0x0  }
0x2e: {  	s18 =	sshra.s32 s18, $0x2;
	[sflag:s12] =	ssyncadd.s32 $0xFFFFC000  }
0x2f: {  	[tilespmem:s15], [sflag:$0x1] =	stream.indirect.gather [spmem:s3], $0x40, s18, s14, $0xb8;
	[tilespmem:$0x1CC00] =	vst v63  }
0x30: {  	_ =	swait.ge [sflag:s16], $0x4000  }
0x31: {  	[sflag:s16] =	ssyncset.done $0x0  }
0x32: {  	s18 =	sadd.s32 $0x100, s18;
	[sflag:s16] =	ssyncadd.s32 $0xFFFFC000  }
0x33: {  	[spmem:s2] =	stream.indirect.scatter.add.f32 [tilespmem:s15], [sflag:$0x2], $0x40, s18, s14, $0xb8;
	[tilespmem:$0x1CC00] =	vst v63  }
0x34: {  	_ =	swait.ge [sflag:s12], $0x4000  }
0x35: {  	s17 =	sadd.s32 $0x1, s17;
	[sflag:s12] =	ssyncset.done $0x0  }
0x36: {  	p0 =	sne.s32 s17, s10;
	[sflag:s12] =	ssyncadd.s32 $0xFFFFC000  }
.Ltmp1:
0x37: {  	[bflag:$0x0] =	sbarrier.arrive $0xFFFF;
	(pc) =	sbr.rel @p0 .LBB2_1-.Ltmp1, $4  }
0x38: {  	[hbm:s9], [sflag:s6] =	dma.local [spmem:s11], $0x13C0  }
0x39: {  	_ =	swait.ge [sflag:s12], $0x13C0  }
0x3a: {  	[sflag:s12] =	ssyncset.done $0x0  }
0x3b: {  	[sflag:s12] =	ssyncadd.s32 $0xFFFFEC40  }
0x3c: {  	_ =	sfence.sel $0x180000  }
0x3d: {  	[bflag:$0x0] =	sbarrier.arrive $0xFFFF  }
0x3e: {  	p0 =	sne.s32 s1, $0x0;
	_ =	strace $0x90000050  }
0x3f: {  	s0 =	sadd.s32 @!p0 $0x100000, s0;
	[bflag:$0x2] =	sbarrier.arrive $0xFFFF  }
0x40: {  	[sflag:s0] =	ssyncadd.tile.s32 @!p0 $0x1;
	_ =	shalt  }
.Lfunc_end2:
_tile_overlayer_lowered:
.L_overlay_start_2:
0x41: {  	(tag) =	ssettag $0x2  }
0x42: {  	s0 =	rddreg [dreg:$0x0];
	s2 =	stileid.u32  }
0x43: {  	s1 =	rddreg [dreg:$0x1];
	p0 =	sne.s32 s2, $0x0  }
0x44: {  	s3 =	rddreg [dreg:$0x2];
	[bflag:$0x3] =	sbarrier.arrive $0xFFFF;
	s2 =	simm.s32 @!p0 $0x1C02  }
0x45: {  	[timem:s3], [sflag:s2] =	dma.local @!p0 [hbm:s0], s1  }
0x46: {  	s0 =	simm.s32 @!p0 $0x2  }
0x47: {  	_ =	swait.ge @!p0 [sflag:s0], s1  }
0x48: {  	s1 =	ssub.s32 @!p0 $0x0, s1;
	[sflag:s0] =	ssyncset.done @!p0 $0x0  }
0x49: {  	[sflag:s0] =	ssyncadd.s32 @!p0 s1  }
0x4a: {  	[bflag:$0x3] =	sbarrier.arrive $0xFFFF  }
0x4b: {  	_ =	shalt  }

</sc_bundles>
